<compile_context>
chip_gen: v7x
topology: tpu7x:2x2x1
jax: 0.10.2.dev20260603
libtpu: 0.0.44.dev20260713+nightly
codegen_flags: <defaults>
</compile_context>

<pallas_src>
import functools

import jax
import jax.numpy as jnp
from jax.experimental import pallas as pl
from jax.experimental.pallas import tpu as pltpu
from jax.experimental.pallas import tpu_sc as plsc

N = 10000
IN_CH = 256
D = 32
SD = 3
K = 40

NPAD = 10240
R = 256
NSTRIPS = NPAD // R

_BIG_IDX = 2**30


def _dot(a, b):
    return jax.lax.dot(a, b)


def _elu(v):
    return jnp.where(v > 0, v, jnp.exp(jnp.minimum(v, 0.0)) - 1.0)


def _bn(x, gamma, beta, eps=1e-5):
    mu = jnp.mean(x, axis=0, keepdims=True)
    var = jnp.mean((x - mu) ** 2, axis=0, keepdims=True)
    return gamma * (x - mu) / jnp.sqrt(var + eps) + beta


def _k1_body(x_ref, w1_ref, b1_ref, w2_ref, b2_ref, g1_ref, be1_ref,
             wh_ref, bh_ref, ws_ref, h_ref, hl_ref, srow_ref):
    h = _elu(_dot(x_ref[...], w1_ref[...]) + b1_ref[...])
    h = _elu(_dot(h, w2_ref[...]) + b2_ref[...])
    h = _bn(h, g1_ref[...], be1_ref[...])
    h_ref[...] = h
    hl_ref[...] = _dot(h, wh_ref[...]) + bh_ref[...]
    s = _dot(h, ws_ref[...])
    ss = jnp.sum(s * s, axis=1, keepdims=True)
    srow_ref[...] = jnp.concatenate(
        [s, ss, jnp.zeros((s.shape[0], 4), jnp.float32)], axis=1)


def _k1(x, W1, b1, W2, b2, g1, be1, Wh, bh, Ws):
    return pl.pallas_call(
        _k1_body,
        out_shape=(
            jax.ShapeDtypeStruct((N, D), jnp.float32),
            jax.ShapeDtypeStruct((N, D), jnp.float32),
            jax.ShapeDtypeStruct((N, 8), jnp.float32),
        ),
    )(x, W1, b1[None, :], W2, b2[None, :], g1[None, :], be1[None, :],
      Wh, bh[None, :], Ws)


def _k2_body(srow_ref, scol_ref, idx_ref, d2_ref):
    i = pl.program_id(0)
    ssr = srow_ref[:, 3:4]
    ssc = scol_ref[3:4, :]
    g = _dot(srow_ref[:, 0:3], scol_ref[0:3, :])
    d2 = (ssr + ssc) - 2.0 * g
    cid = jax.lax.broadcasted_iota(jnp.int32, (R, NPAD), 1)
    rid = i * R + jax.lax.broadcasted_iota(jnp.int32, (R, NPAD), 0)
    d2_ref[...] = jnp.where((cid >= N) | (cid == rid), jnp.inf, d2)
    lk = jax.lax.broadcasted_iota(jnp.int32, (R, K), 1)

    def extract(k, idxacc):
        d = d2_ref[...]
        m = jnp.min(d, axis=1, keepdims=True)
        eq = d <= m
        c = jax.lax.broadcasted_iota(jnp.int32, (R, NPAD), 1)
        idxv = jnp.min(jnp.where(eq, c, _BIG_IDX), axis=1, keepdims=True)
        d2_ref[...] = jnp.where(eq, jnp.inf, d)
        return jnp.where(lk == k, idxv, idxacc)

    idx_ref[...] = jax.lax.fori_loop(
        0, K, extract, jnp.zeros((R, K), jnp.int32))


def _k2(srow_pad, scol_pad):
    return pl.pallas_call(
        _k2_body,
        grid=(NSTRIPS,),
        in_specs=[
            pl.BlockSpec((R, 8), lambda i: (i, 0)),
            pl.BlockSpec((8, NPAD), lambda i: (0, 0)),
        ],
        out_specs=pl.BlockSpec((R, K), lambda i: (i, 0)),
        out_shape=jax.ShapeDtypeStruct((NPAD, K), jnp.int32),
        scratch_shapes=[pltpu.VMEM((R, NPAD), jnp.float32)],
    )(srow_pad, scol_pad)


NW = 32
DPW = NPAD // NW
KP = 48


def _k3_body(idx_hbm, p_hbm, h_hbm, out_hbm,
             idx_v, p_all, rows_v, out_v, sem):
    wid = jax.lax.axis_index("s") * 2 + jax.lax.axis_index("c")
    base = wid * DPW
    pltpu.sync_copy(idx_hbm.at[pl.ds(base, DPW)], idx_v)
    pltpu.sync_copy(p_hbm.at[pl.ds(base, DPW)], p_all)

    def per_dst(d, carry):
        pltpu.async_copy(h_hbm.at[idx_v.at[d]], rows_v, sem).wait()
        dd = jnp.full((16,), d, jnp.int32)
        acc0 = jnp.zeros((16,), jnp.float32)
        acc1 = jnp.zeros((16,), jnp.float32)
        mx0 = jnp.full((16,), -jnp.inf, jnp.float32)
        mx1 = jnp.full((16,), -jnp.inf, jnp.float32)
        for k in range(K):
            pk = plsc.load_gather(p_all, [dd, jnp.full((16,), k, jnp.int32)])
            t0 = pk * rows_v[k, 0:16]
            t1 = pk * rows_v[k, 16:32]
            acc0 = acc0 + t0
            acc1 = acc1 + t1
            mx0 = jnp.maximum(mx0, t0)
            mx1 = jnp.maximum(mx1, t1)
        out_v[d, 0:16] = acc0 * (1.0 / K)
        out_v[d, 16:32] = acc1 * (1.0 / K)
        out_v[d, 32:48] = mx0
        out_v[d, 48:64] = mx1
        return carry

    jax.lax.fori_loop(0, DPW, per_dst, 0)
    pltpu.sync_copy(out_v, out_hbm.at[pl.ds(base, DPW)])


def _k3(idx48, p48, h_pad):
    mesh = plsc.VectorSubcoreMesh(core_axis_name="c", subcore_axis_name="s")
    kfn = functools.partial(
        pl.kernel, mesh=mesh,
        compiler_params=pltpu.CompilerParams(
            needs_layout_passes=False, use_tc_tiling_on_sc=False),
        out_type=jax.ShapeDtypeStruct((NPAD, 2 * D), jnp.float32),
        scratch_types=[
            pltpu.VMEM((DPW, KP), jnp.int32),
            pltpu.VMEM((DPW, KP), jnp.float32),
            pltpu.VMEM((KP, D), jnp.float32),
            pltpu.VMEM((DPW, 2 * D), jnp.float32),
            pltpu.SemaphoreType.DMA,
        ],
    )(_k3_body)
    return kfn(idx48, p48, h_pad)


def _k4_body(agg_ref, h_ref, srow_ref, wla_ref, wlh_ref, bl_ref,
             wpx_ref, wps_ref, wph_ref, bp1_ref, wp2_ref, bp2_ref,
             g2_ref, be2_ref, o_ref):
    h = h_ref[...]
    xgn = (_dot(agg_ref[...], wla_ref[...]) + _dot(h, wlh_ref[...])
           + bl_ref[...])
    zs = (srow_ref[:, 0:1] * wps_ref[0:1, :]
          + srow_ref[:, 1:2] * wps_ref[1:2, :]
          + srow_ref[:, 2:3] * wps_ref[2:3, :])
    z = _elu(_dot(xgn, wpx_ref[...]) + zs + _dot(h, wph_ref[...])
             + bp1_ref[...])
    z = _elu(_dot(z, wp2_ref[...]) + bp2_ref[...])
    o_ref[...] = _bn(z, g2_ref[...], be2_ref[...])


def _k4(agg, h, srow, W_lin, b_lin, W_post1, b_post1, W_post2, b_post2,
        g2, be2):
    return pl.pallas_call(
        _k4_body,
        out_shape=jax.ShapeDtypeStruct((N, D), jnp.float32),
    )(agg, h, srow, W_lin[:2 * D], W_lin[2 * D:], b_lin[None, :],
      W_post1[:D], W_post1[D:D + SD], W_post1[D + SD:], b_post1[None, :],
      W_post2, b_post2[None, :], g2[None, :], be2[None, :])


def kernel(x, batch, original_coords, step_count, num_layer,
           W_pre1, b_pre1, W_pre2, b_pre2, g1, be1,
           W_s, W_h, b_h, W_lin, b_lin,
           W_post1, b_post1, W_post2, b_post2, g2, be2):
    h, h_l, srow = _k1(x, W_pre1, b_pre1, W_pre2, b_pre2, g1, be1,
                       W_h, b_h, W_s)
    srow_pad = jnp.pad(srow, ((0, NPAD - N), (0, 0)))
    scol_pad = srow_pad.T
    nn_idx = _k2(srow_pad, scol_pad)
    idx48 = jnp.pad(nn_idx, ((0, 0), (0, KP - K)))
    h_l_pad = jnp.pad(h_l, ((0, NPAD - N), (0, 0)))
    s_l = srow[:, :SD]
    s_nbr = s_l[nn_idx[:N]]
    d2_nn = jnp.sum((s_l[:, None, :] - s_nbr) ** 2, axis=-1)
    p = jnp.exp(-d2_nn)
    p48 = jnp.pad(p, ((0, NPAD - N), (0, KP - K)))
    agg = _k3(idx48, p48, h_l_pad)[:N]
    return _k4(agg, h, srow, W_lin, b_lin, W_post1, b_post1,
               W_post2, b_post2, g2, be2)

# --- scband reference (transcript-rebuilt; emitter-appended) ---
"""Pipeline reference for scband-grav-net-block-31044023615652 (READ-ONLY COPY).

The authoritative reference and input builder live on the scoring server;
editing this copy changes nothing except your own understanding.
"""

import jax, jax.numpy as jnp
import numpy as np

N = 10000
IN_CH = 256
D = 32
SD = 3
K = 40


def _lin_params(key, fan_in, fan_out):
    k1, _ = jax.random.split(key)
    lim = float(np.sqrt(6.0 / (fan_in + fan_out)))
    W = jax.random.uniform(k1, (fan_in, fan_out), jnp.float32, -lim, lim)
    b = jnp.zeros((fan_out,), jnp.float32)
    return W, b


def setup_inputs(seed: int = 0) -> dict:
    key = jax.random.key(seed)
    ks = jax.random.split(key, 12)
    x = jax.random.normal(ks[0], (N, IN_CH), jnp.float32)
    original_coords = jax.random.normal(ks[1], (N, SD), jnp.float32)
    batch = jnp.zeros((N,), jnp.int32)
    W_pre1, b_pre1 = _lin_params(ks[2], IN_CH, D)
    W_pre2, b_pre2 = _lin_params(ks[3], D, D)
    W_s = jax.random.normal(ks[4], (D, SD), jnp.float32) * (1.0 / np.sqrt(D))
    W_h, b_h = _lin_params(ks[5], D, D)
    W_lin, b_lin = _lin_params(ks[6], D + 2 * D, D)
    W_post1, b_post1 = _lin_params(ks[7], D + SD + D, D)
    W_post2, b_post2 = _lin_params(ks[8], D, D)
    g1 = jnp.ones((D,), jnp.float32)
    be1 = jnp.zeros((D,), jnp.float32)
    g2 = jnp.ones((D,), jnp.float32)
    be2 = jnp.zeros((D,), jnp.float32)
    return {
        "x": x, "batch": batch, "original_coords": original_coords,
        "step_count": 1, "num_layer": 1,
        "W_pre1": W_pre1, "b_pre1": b_pre1, "W_pre2": W_pre2, "b_pre2": b_pre2,
        "g1": g1, "be1": be1,
        "W_s": W_s, "W_h": W_h, "b_h": b_h, "W_lin": W_lin, "b_lin": b_lin,
        "W_post1": W_post1, "b_post1": b_post1, "W_post2": W_post2, "b_post2": b_post2,
        "g2": g2, "be2": be2,
    }


def _batchnorm(x, gamma, beta, eps=1e-5):
    mu = jnp.mean(x, axis=0)
    var = jnp.var(x, axis=0)
    return gamma * (x - mu) / jnp.sqrt(var + eps) + beta


def reference(x, batch, original_coords, step_count, num_layer,
              W_pre1, b_pre1, W_pre2, b_pre2, g1, be1,
              W_s, W_h, b_h, W_lin, b_lin,
              W_post1, b_post1, W_post2, b_post2, g2, be2):
    # pre_gravnet MLP
    h = jax.nn.elu(x @ W_pre1 + b_pre1)
    h = jax.nn.elu(h @ W_pre2 + b_pre2)
    h = _batchnorm(h, g1, be1)
    x_input = h
    # GravNetConv
    h_l = h @ W_h + b_h
    s_l = h @ W_s  # learned space coordinates (no bias)
    # knn graph in the learned space (indices are non-differentiable)
    s_sg = jax.lax.stop_gradient(s_l)
    ss = jnp.sum(s_sg * s_sg, axis=-1)
    d2 = ss[:, None] + ss[None, :] - 2.0 * (s_sg @ s_sg.T)
    n = s_sg.shape[0]
    ar = jnp.arange(n)
    d2 = d2.at[ar, ar].set(jnp.inf)  # remove self loops
    _, nn_idx = jax.lax.top_k(-d2, K)  # [N, K] neighbor (src) indices per dst node
    # edge potential recomputed differentiably from s_l (matches torch)
    s_nbr = s_l[nn_idx]  # [N, K, SD]
    d2_nn = jnp.sum((s_l[:, None, :] - s_nbr) ** 2, axis=-1)
    potential = jnp.exp(-d2_nn)  # exp(-edge_weight^2)
    # message passing: potential * h_l[src], mean/max aggregation at dst
    h_nbr = h_l[nn_idx]  # [N, K, D]
    feat = potential[..., None] * h_nbr
    mean_agg = jnp.mean(feat, axis=1)
    max_agg = jnp.max(feat, axis=1)
    agg = jnp.concatenate([mean_agg, max_agg], axis=-1)  # [N, 2D]
    xgn = jnp.concatenate([agg, h], axis=-1) @ W_lin + b_lin  # [N, D]
    # post_gravnet
    z = jnp.concatenate([xgn, s_l, x_input], axis=-1)  # [N, D+SD+D]
    z = jax.nn.elu(z @ W_post1 + b_post1)
    z = jax.nn.elu(z @ W_post2 + b_post2)
    z = _batchnorm(z, g2, be2)
    return z

if __name__ == "__main__":
    import jax
    _d = setup_inputs()
    print(jax.jit(kernel)(*tuple(_d.values())))

</pallas_src>

<mosaic_0001>
#map = affine_map<(d0, d1) -> (0, 0)>
module attributes {stable_mosaic.version = 14 : i64} {
  func.func @_k3_body(%arg0: i32, %arg1: i32, %arg2: memref<10240x48xi32, #tpu.memory_space<hbm>>, %arg3: memref<10240x48xf32, #tpu.memory_space<hbm>>, %arg4: memref<10240x32xf32, #tpu.memory_space<hbm>>, %arg5: memref<10240x64xf32, #tpu.memory_space<hbm>>, %arg6: memref<320x48xi32, #tpu.memory_space<vmem>>, %arg7: memref<320x48xf32, #tpu.memory_space<vmem>>, %arg8: memref<48x32xf32, #tpu.memory_space<vmem>>, %arg9: memref<320x64xf32, #tpu.memory_space<vmem>>, %arg10: memref<!tpu.dma_semaphore, #tpu.memory_space<semaphore_mem>>) attributes {dimension_semantics = [#tpu.dimension_semantics<core_parallel>, #tpu.dimension_semantics<subcore_parallel>], iteration_bounds = array<i64: 2, 16>, scalar_prefetch = 0 : i64, scratch_operands = 5 : i64, tpu.core_type = #tpu.core_type<sc_vector_subcore>, window_params = [{transform_indices = #map}, {transform_indices = #map}, {transform_indices = #map}, {transform_indices = #map}]} {
    %mul3A = arith.constant 2 : i32
    %mul3A_0 = arith.muli %arg1, %mul3A : i32
    %add3A = arith.addi %mul3A_0, %arg0 : i32
    %mul3A_1 = arith.constant 320 : i32
    %mul3A_2 = arith.muli %add3A, %mul3A_1 : i32
    "tpu.region"() ({
      %run_scoped3A = tpu.sem_alloc : memref<!tpu.dma_semaphore, #tpu.memory_space<semaphore_mem>>
      %dma_start3A = arith.constant 0 : i32
      %dma_start3A_8 = tpu.memref_slice %arg2[%mul3A_2, %dma_start3A] : memref<10240x48xi32, #tpu.memory_space<hbm>> -> memref<320x48xi32, #tpu.memory_space<hbm>>
      %dma_start3A_9 = arith.constant 0 : i32
      %dma_start3A_10 = tpu.memref_slice %arg2[%mul3A_2, %dma_start3A_9] : memref<10240x48xi32, #tpu.memory_space<hbm>> -> memref<320x48xi32, #tpu.memory_space<hbm>>
      tpu.enqueue_dma source(%dma_start3A_10 : memref<320x48xi32, #tpu.memory_space<hbm>>) target(%arg6 : memref<320x48xi32, #tpu.memory_space<vmem>>) target_semaphore(%run_scoped3A : memref<!tpu.dma_semaphore, #tpu.memory_space<semaphore_mem>>)
      %dma_wait3A = arith.constant 0 : i32
      %dma_wait3A_11 = tpu.memref_slice %arg2[%mul3A_2, %dma_wait3A] : memref<10240x48xi32, #tpu.memory_space<hbm>> -> memref<320x48xi32, #tpu.memory_space<hbm>>
      %dma_wait3A_12 = arith.constant 0 : i32
      %dma_wait3A_13 = tpu.memref_slice %arg2[%mul3A_2, %dma_wait3A_12] : memref<10240x48xi32, #tpu.memory_space<hbm>> -> memref<320x48xi32, #tpu.memory_space<hbm>>
      tpu.wait_dma2 semaphore(%run_scoped3A : memref<!tpu.dma_semaphore, #tpu.memory_space<semaphore_mem>>) src(%dma_wait3A_13 : memref<320x48xi32, #tpu.memory_space<hbm>>) dst(%arg6 : memref<320x48xi32, #tpu.memory_space<vmem>>)
      tpu.yield
    }) : () -> ()
    "tpu.region"() ({
      %run_scoped3A = tpu.sem_alloc : memref<!tpu.dma_semaphore, #tpu.memory_space<semaphore_mem>>
      %dma_start3A = arith.constant 0 : i32
      %dma_start3A_8 = tpu.memref_slice %arg3[%mul3A_2, %dma_start3A] : memref<10240x48xf32, #tpu.memory_space<hbm>> -> memref<320x48xf32, #tpu.memory_space<hbm>>
      %dma_start3A_9 = arith.constant 0 : i32
      %dma_start3A_10 = tpu.memref_slice %arg3[%mul3A_2, %dma_start3A_9] : memref<10240x48xf32, #tpu.memory_space<hbm>> -> memref<320x48xf32, #tpu.memory_space<hbm>>
      tpu.enqueue_dma source(%dma_start3A_10 : memref<320x48xf32, #tpu.memory_space<hbm>>) target(%arg7 : memref<320x48xf32, #tpu.memory_space<vmem>>) target_semaphore(%run_scoped3A : memref<!tpu.dma_semaphore, #tpu.memory_space<semaphore_mem>>)
      %dma_wait3A = arith.constant 0 : i32
      %dma_wait3A_11 = tpu.memref_slice %arg3[%mul3A_2, %dma_wait3A] : memref<10240x48xf32, #tpu.memory_space<hbm>> -> memref<320x48xf32, #tpu.memory_space<hbm>>
      %dma_wait3A_12 = arith.constant 0 : i32
      %dma_wait3A_13 = tpu.memref_slice %arg3[%mul3A_2, %dma_wait3A_12] : memref<10240x48xf32, #tpu.memory_space<hbm>> -> memref<320x48xf32, #tpu.memory_space<hbm>>
      tpu.wait_dma2 semaphore(%run_scoped3A : memref<!tpu.dma_semaphore, #tpu.memory_space<semaphore_mem>>) src(%dma_wait3A_13 : memref<320x48xf32, #tpu.memory_space<hbm>>) dst(%arg7 : memref<320x48xf32, #tpu.memory_space<vmem>>)
      tpu.yield
    }) : () -> ()
    %scan3A = arith.constant 0 : i32
    %scan3A_3 = arith.constant 0 : i32
    %scan3A_4 = arith.constant 320 : i32
    %scan3A_5 = arith.addi %scan3A_3, %scan3A_4 : i32
    %scan3A_6 = arith.constant 1 : i32
    scf.for %scan3A_8 = %scan3A_3 to %scan3A_5 step %scan3A_6  : i32 {
      %dma_start3A = arith.constant 0 : i32
      %dma_start3A_9 = tpu.memref_slice %arg6[%scan3A_8, %dma_start3A] : memref<320x48xi32, #tpu.memory_space<vmem>> -> memref<1x48xi32, #tpu.memory_space<vmem>>
      %dma_start3A_10 = tpu.memref_squeeze %dma_start3A_9 : memref<1x48xi32, #tpu.memory_space<vmem>> -> memref<48xi32, #tpu.memory_space<vmem>>
      %dma_start3A_11 = arith.constant 0 : i32
      %dma_start3A_12 = arith.constant 0 : i32
      %dma_start3A_13 = tpu.memref_slice %arg4[%dma_start3A_11, %dma_start3A_12] : memref<10240x32xf32, #tpu.memory_space<hbm>> -> memref<10240x32xf32, #tpu.memory_space<hbm>>
      tpu.enqueue_indirect_dma source(%dma_start3A_13 : memref<10240x32xf32, #tpu.memory_space<hbm>>) target(%arg8 : memref<48x32xf32, #tpu.memory_space<vmem>>) offsets(%dma_start3A_10 : memref<48xi32, #tpu.memory_space<vmem>>) semaphore(%arg10 : memref<!tpu.dma_semaphore, #tpu.memory_space<semaphore_mem>>)
      %dma_wait3A = arith.constant 0 : i32
      %dma_wait3A_14 = tpu.memref_slice %arg6[%scan3A_8, %dma_wait3A] : memref<320x48xi32, #tpu.memory_space<vmem>> -> memref<1x48xi32, #tpu.memory_space<vmem>>
      %dma_wait3A_15 = tpu.memref_squeeze %dma_wait3A_14 : memref<1x48xi32, #tpu.memory_space<vmem>> -> memref<48xi32, #tpu.memory_space<vmem>>
      %dma_wait3A_16 = arith.constant 0 : i32
      %dma_wait3A_17 = arith.constant 0 : i32
      %dma_wait3A_18 = tpu.memref_slice %arg4[%dma_wait3A_16, %dma_wait3A_17] : memref<10240x32xf32, #tpu.memory_space<hbm>> -> memref<10240x32xf32, #tpu.memory_space<hbm>>
      tpu.wait_indirect_dma semaphore(%arg10 : memref<!tpu.dma_semaphore, #tpu.memory_space<semaphore_mem>>) src(%dma_wait3A_18 : memref<10240x32xf32, #tpu.memory_space<hbm>>) dst(%arg8 : memref<48x32xf32, #tpu.memory_space<vmem>>)
      %broadcast_in_dim3A = vector.broadcast %scan3A_8 : i32 to vector<16xi32>
      %broadcast_in_dim3A_19 = arith.constant 0.000000e+00 : f32
      %broadcast_in_dim3A_20 = vector.broadcast %broadcast_in_dim3A_19 : f32 to vector<16xf32>
      %broadcast_in_dim3A_21 = arith.constant 0.000000e+00 : f32
      %broadcast_in_dim3A_22 = vector.broadcast %broadcast_in_dim3A_21 : f32 to vector<16xf32>
      %broadcast_in_dim3A_23 = arith.constant 0xFF800000 : f32
      %broadcast_in_dim3A_24 = vector.broadcast %broadcast_in_dim3A_23 : f32 to vector<16xf32>
      %broadcast_in_dim3A_25 = arith.constant 0xFF800000 : f32
      %broadcast_in_dim3A_26 = vector.broadcast %broadcast_in_dim3A_25 : f32 to vector<16xf32>
      %broadcast_in_dim3A_27 = arith.constant 0 : i32
      %broadcast_in_dim3A_28 = vector.broadcast %broadcast_in_dim3A_27 : i32 to vector<16xi32>
      %gather3A = tpu.vector_load_idx %arg7[%broadcast_in_dim3A, %broadcast_in_dim3A_28] : memref<320x48xf32, #tpu.memory_space<vmem>>[vector<16xi32>, vector<16xi32>], vector<16xf32>,
      %get3A = arith.constant 0 : i32
      %get3A_29 = arith.index_cast %get3A : i32 to index
      %get3A_30 = arith.constant 0 : index
      %get3A_31 = tpu.vector_load %arg8[%get3A_29, %get3A_30] {strides = array<i32>} : memref<48x32xf32, #tpu.memory_space<vmem>>, vector<16xf32>,
      %mul3A_32 = arith.mulf %gather3A, %get3A_31 : vector<16xf32>
      %get3A_33 = arith.constant 0 : i32
      %get3A_34 = arith.index_cast %get3A_33 : i32 to index
      %get3A_35 = arith.constant 16 : index
      %get3A_36 = tpu.vector_load %arg8[%get3A_34, %get3A_35] {strides = array<i32>} : memref<48x32xf32, #tpu.memory_space<vmem>>, vector<16xf32>,
      %mul3A_37 = arith.mulf %gather3A, %get3A_36 : vector<16xf32>
      %add3A_38 = arith.addf %broadcast_in_dim3A_20, %mul3A_32 : vector<16xf32>
      %add3A_39 = arith.addf %broadcast_in_dim3A_22, %mul3A_37 : vector<16xf32>
      %max3A = arith.maximumf %broadcast_in_dim3A_24, %mul3A_32 : vector<16xf32>
      %max3A_40 = arith.maximumf %broadcast_in_dim3A_26, %mul3A_37 : vector<16xf32>
      %broadcast_in_dim3A_41 = arith.constant 1 : i32
      %broadcast_in_dim3A_42 = vector.broadcast %broadcast_in_dim3A_41 : i32 to vector<16xi32>
      %gather3A_43 = tpu.vector_load_idx %arg7[%broadcast_in_dim3A, %broadcast_in_dim3A_42] : memref<320x48xf32, #tpu.memory_space<vmem>>[vector<16xi32>, vector<16xi32>], vector<16xf32>,
      %get3A_44 = arith.constant 1 : i32
      %get3A_45 = arith.index_cast %get3A_44 : i32 to index
      %get3A_46 = arith.constant 0 : index
      %get3A_47 = tpu.vector_load %arg8[%get3A_45, %get3A_46] {strides = array<i32>} : memref<48x32xf32, #tpu.memory_space<vmem>>, vector<16xf32>,
      %mul3A_48 = arith.mulf %gather3A_43, %get3A_47 : vector<16xf32>
      %get3A_49 = arith.constant 1 : i32
      %get3A_50 = arith.index_cast %get3A_49 : i32 to index
      %get3A_51 = arith.constant 16 : index
      %get3A_52 = tpu.vector_load %arg8[%get3A_50, %get3A_51] {strides = array<i32>} : memref<48x32xf32, #tpu.memory_space<vmem>>, vector<16xf32>,
      %mul3A_53 = arith.mulf %gather3A_43, %get3A_52 : vector<16xf32>
      %add3A_54 = arith.addf %add3A_38, %mul3A_48 : vector<16xf32>
      %add3A_55 = arith.addf %add3A_39, %mul3A_53 : vector<16xf32>
      %max3A_56 = arith.maximumf %max3A, %mul3A_48 : vector<16xf32>
      %max3A_57 = arith.maximumf %max3A_40, %mul3A_53 : vector<16xf32>
      %broadcast_in_dim3A_58 = arith.constant 2 : i32
      %broadcast_in_dim3A_59 = vector.broadcast %broadcast_in_dim3A_58 : i32 to vector<16xi32>
      %gather3A_60 = tpu.vector_load_idx %arg7[%broadcast_in_dim3A, %broadcast_in_dim3A_59] : memref<320x48xf32, #tpu.memory_space<vmem>>[vector<16xi32>, vector<16xi32>], vector<16xf32>,
      %get3A_61 = arith.constant 2 : i32
      %get3A_62 = arith.index_cast %get3A_61 : i32 to index
      %get3A_63 = arith.constant 0 : index
      %get3A_64 = tpu.vector_load %arg8[%get3A_62, %get3A_63] {strides = array<i32>} : memref<48x32xf32, #tpu.memory_space<vmem>>, vector<16xf32>,
      %mul3A_65 = arith.mulf %gather3A_60, %get3A_64 : vector<16xf32>
      %get3A_66 = arith.constant 2 : i32
      %get3A_67 = arith.index_cast %get3A_66 : i32 to index
      %get3A_68 = arith.constant 16 : index
      %get3A_69 = tpu.vector_load %arg8[%get3A_67, %get3A_68] {strides = array<i32>} : memref<48x32xf32, #tpu.memory_space<vmem>>, vector<16xf32>,
      %mul3A_70 = arith.mulf %gather3A_60, %get3A_69 : vector<16xf32>
      %add3A_71 = arith.addf %add3A_54, %mul3A_65 : vector<16xf32>
      %add3A_72 = arith.addf %add3A_55, %mul3A_70 : vector<16xf32>
      %max3A_73 = arith.maximumf %max3A_56, %mul3A_65 : vector<16xf32>
      %max3A_74 = arith.maximumf %max3A_57, %mul3A_70 : vector<16xf32>
      %broadcast_in_dim3A_75 = arith.constant 3 : i32
      %broadcast_in_dim3A_76 = vector.broadcast %broadcast_in_dim3A_75 : i32 to vector<16xi32>
      %gather3A_77 = tpu.vector_load_idx %arg7[%broadcast_in_dim3A, %broadcast_in_dim3A_76] : memref<320x48xf32, #tpu.memory_space<vmem>>[vector<16xi32>, vector<16xi32>], vector<16xf32>,
      %get3A_78 = arith.constant 3 : i32
      %get3A_79 = arith.index_cast %get3A_78 : i32 to index
      %get3A_80 = arith.constant 0 : index
      %get3A_81 = tpu.vector_load %arg8[%get3A_79, %get3A_80] {strides = array<i32>} : memref<48x32xf32, #tpu.memory_space<vmem>>, vector<16xf32>,
      %mul3A_82 = arith.mulf %gather3A_77, %get3A_81 : vector<16xf32>
      %get3A_83 = arith.constant 3 : i32
      %get3A_84 = arith.index_cast %get3A_83 : i32 to index
      %get3A_85 = arith.constant 16 : index
      %get3A_86 = tpu.vector_load %arg8[%get3A_84, %get3A_85] {strides = array<i32>} : memref<48x32xf32, #tpu.memory_space<vmem>>, vector<16xf32>,
      %mul3A_87 = arith.mulf %gather3A_77, %get3A_86 : vector<16xf32>
      %add3A_88 = arith.addf %add3A_71, %mul3A_82 : vector<16xf32>
      %add3A_89 = arith.addf %add3A_72, %mul3A_87 : vector<16xf32>
      %max3A_90 = arith.maximumf %max3A_73, %mul3A_82 : vector<16xf32>
      %max3A_91 = arith.maximumf %max3A_74, %mul3A_87 : vector<16xf32>
      %broadcast_in_dim3A_92 = arith.constant 4 : i32
      %broadcast_in_dim3A_93 = vector.broadcast %broadcast_in_dim3A_92 : i32 to vector<16xi32>
      %gather3A_94 = tpu.vector_load_idx %arg7[%broadcast_in_dim3A, %broadcast_in_dim3A_93] : memref<320x48xf32, #tpu.memory_space<vmem>>[vector<16xi32>, vector<16xi32>], vector<16xf32>,
      %get3A_95 = arith.constant 4 : i32
      %get3A_96 = arith.index_cast %get3A_95 : i32 to index
      %get3A_97 = arith.constant 0 : index
      %get3A_98 = tpu.vector_load %arg8[%get3A_96, %get3A_97] {strides = array<i32>} : memref<48x32xf32, #tpu.memory_space<vmem>>, vector<16xf32>,
      %mul3A_99 = arith.mulf %gather3A_94, %get3A_98 : vector<16xf32>
      %get3A_100 = arith.constant 4 : i32
      %get3A_101 = arith.index_cast %get3A_100 : i32 to index
      %get3A_102 = arith.constant 16 : index
      %get3A_103 = tpu.vector_load %arg8[%get3A_101, %get3A_102] {strides = array<i32>} : memref<48x32xf32, #tpu.memory_space<vmem>>, vector<16xf32>,
      %mul3A_104 = arith.mulf %gather3A_94, %get3A_103 : vector<16xf32>
      %add3A_105 = arith.addf %add3A_88, %mul3A_99 : vector<16xf32>
      %add3A_106 = arith.addf %add3A_89, %mul3A_104 : vector<16xf32>
      %max3A_107 = arith.maximumf %max3A_90, %mul3A_99 : vector<16xf32>
      %max3A_108 = arith.maximumf %max3A_91, %mul3A_104 : vector<16xf32>
      %broadcast_in_dim3A_109 = arith.constant 5 : i32
      %broadcast_in_dim3A_110 = vector.broadcast %broadcast_in_dim3A_109 : i32 to vector<16xi32>
      %gather3A_111 = tpu.vector_load_idx %arg7[%broadcast_in_dim3A, %broadcast_in_dim3A_110] : memref<320x48xf32, #tpu.memory_space<vmem>>[vector<16xi32>, vector<16xi32>], vector<16xf32>,
      %get3A_112 = arith.constant 5 : i32
      %get3A_113 = arith.index_cast %get3A_112 : i32 to index
      %get3A_114 = arith.constant 0 : index
      %get3A_115 = tpu.vector_load %arg8[%get3A_113, %get3A_114] {strides = array<i32>} : memref<48x32xf32, #tpu.memory_space<vmem>>, vector<16xf32>,
      %mul3A_116 = arith.mulf %gather3A_111, %get3A_115 : vector<16xf32>
      %get3A_117 = arith.constant 5 : i32
      %get3A_118 = arith.index_cast %get3A_117 : i32 to index
      %get3A_119 = arith.constant 16 : index
      %get3A_120 = tpu.vector_load %arg8[%get3A_118, %get3A_119] {strides = array<i32>} : memref<48x32xf32, #tpu.memory_space<vmem>>, vector<16xf32>,
      %mul3A_121 = arith.mulf %gather3A_111, %get3A_120 : vector<16xf32>
      %add3A_122 = arith.addf %add3A_105, %mul3A_116 : vector<16xf32>
      %add3A_123 = arith.addf %add3A_106, %mul3A_121 : vector<16xf32>
      %max3A_124 = arith.maximumf %max3A_107, %mul3A_116 : vector<16xf32>
      %max3A_125 = arith.maximumf %max3A_108, %mul3A_121 : vector<16xf32>
      %broadcast_in_dim3A_126 = arith.constant 6 : i32
      %broadcast_in_dim3A_127 = vector.broadcast %broadcast_in_dim3A_126 : i32 to vector<16xi32>
      %gather3A_128 = tpu.vector_load_idx %arg7[%broadcast_in_dim3A, %broadcast_in_dim3A_127] : memref<320x48xf32, #tpu.memory_space<vmem>>[vector<16xi32>, vector<16xi32>], vector<16xf32>,
      %get3A_129 = arith.constant 6 : i32
      %get3A_130 = arith.index_cast %get3A_129 : i32 to index
      %get3A_131 = arith.constant 0 : index
      %get3A_132 = tpu.vector_load %arg8[%get3A_130, %get3A_131] {strides = array<i32>} : memref<48x32xf32, #tpu.memory_space<vmem>>, vector<16xf32>,
      %mul3A_133 = arith.mulf %gather3A_128, %get3A_132 : vector<16xf32>
      %get3A_134 = arith.constant 6 : i32
      %get3A_135 = arith.index_cast %get3A_134 : i32 to index
      %get3A_136 = arith.constant 16 : index
      %get3A_137 = tpu.vector_load %arg8[%get3A_135, %get3A_136] {strides = array<i32>} : memref<48x32xf32, #tpu.memory_space<vmem>>, vector<16xf32>,
      %mul3A_138 = arith.mulf %gather3A_128, %get3A_137 : vector<16xf32>
      %add3A_139 = arith.addf %add3A_122, %mul3A_133 : vector<16xf32>
      %add3A_140 = arith.addf %add3A_123, %mul3A_138 : vector<16xf32>
      %max3A_141 = arith.maximumf %max3A_124, %mul3A_133 : vector<16xf32>
      %max3A_142 = arith.maximumf %max3A_125, %mul3A_138 : vector<16xf32>
      %broadcast_in_dim3A_143 = arith.constant 7 : i32
      %broadcast_in_dim3A_144 = vector.broadcast %broadcast_in_dim3A_143 : i32 to vector<16xi32>
      %gather3A_145 = tpu.vector_load_idx %arg7[%broadcast_in_dim3A, %broadcast_in_dim3A_144] : memref<320x48xf32, #tpu.memory_space<vmem>>[vector<16xi32>, vector<16xi32>], vector<16xf32>,
      %get3A_146 = arith.constant 7 : i32
      %get3A_147 = arith.index_cast %get3A_146 : i32 to index
      %get3A_148 = arith.constant 0 : index
      %get3A_149 = tpu.vector_load %arg8[%get3A_147, %get3A_148] {strides = array<i32>} : memref<48x32xf32, #tpu.memory_space<vmem>>, vector<16xf32>,
      %mul3A_150 = arith.mulf %gather3A_145, %get3A_149 : vector<16xf32>
      %get3A_151 = arith.constant 7 : i32
      %get3A_152 = arith.index_cast %get3A_151 : i32 to index
      %get3A_153 = arith.constant 16 : index
      %get3A_154 = tpu.vector_load %arg8[%get3A_152, %get3A_153] {strides = array<i32>} : memref<48x32xf32, #tpu.memory_space<vmem>>, vector<16xf32>,
      %mul3A_155 = arith.mulf %gather3A_145, %get3A_154 : vector<16xf32>
      %add3A_156 = arith.addf %add3A_139, %mul3A_150 : vector<16xf32>
      %add3A_157 = arith.addf %add3A_140, %mul3A_155 : vector<16xf32>
      %max3A_158 = arith.maximumf %max3A_141, %mul3A_150 : vector<16xf32>
      %max3A_159 = arith.maximumf %max3A_142, %mul3A_155 : vector<16xf32>
      %broadcast_in_dim3A_160 = arith.constant 8 : i32
      %broadcast_in_dim3A_161 = vector.broadcast %broadcast_in_dim3A_160 : i32 to vector<16xi32>
      %gather3A_162 = tpu.vector_load_idx %arg7[%broadcast_in_dim3A, %broadcast_in_dim3A_161] : memref<320x48xf32, #tpu.memory_space<vmem>>[vector<16xi32>, vector<16xi32>], vector<16xf32>,
      %get3A_163 = arith.constant 8 : i32
      %get3A_164 = arith.index_cast %get3A_163 : i32 to index
      %get3A_165 = arith.constant 0 : index
      %get3A_166 = tpu.vector_load %arg8[%get3A_164, %get3A_165] {strides = array<i32>} : memref<48x32xf32, #tpu.memory_space<vmem>>, vector<16xf32>,
      %mul3A_167 = arith.mulf %gather3A_162, %get3A_166 : vector<16xf32>
      %get3A_168 = arith.constant 8 : i32
      %get3A_169 = arith.index_cast %get3A_168 : i32 to index
      %get3A_170 = arith.constant 16 : index
      %get3A_171 = tpu.vector_load %arg8[%get3A_169, %get3A_170] {strides = array<i32>} : memref<48x32xf32, #tpu.memory_space<vmem>>, vector<16xf32>,
      %mul3A_172 = arith.mulf %gather3A_162, %get3A_171 : vector<16xf32>
      %add3A_173 = arith.addf %add3A_156, %mul3A_167 : vector<16xf32>
      %add3A_174 = arith.addf %add3A_157, %mul3A_172 : vector<16xf32>
      %max3A_175 = arith.maximumf %max3A_158, %mul3A_167 : vector<16xf32>
      %max3A_176 = arith.maximumf %max3A_159, %mul3A_172 : vector<16xf32>
      %broadcast_in_dim3A_177 = arith.constant 9 : i32
      %broadcast_in_dim3A_178 = vector.broadcast %broadcast_in_dim3A_177 : i32 to vector<16xi32>
      %gather3A_179 = tpu.vector_load_idx %arg7[%broadcast_in_dim3A, %broadcast_in_dim3A_178] : memref<320x48xf32, #tpu.memory_space<vmem>>[vector<16xi32>, vector<16xi32>], vector<16xf32>,
      %get3A_180 = arith.constant 9 : i32
      %get3A_181 = arith.index_cast %get3A_180 : i32 to index
      %get3A_182 = arith.constant 0 : index
      %get3A_183 = tpu.vector_load %arg8[%get3A_181, %get3A_182] {strides = array<i32>} : memref<48x32xf32, #tpu.memory_space<vmem>>, vector<16xf32>,
      %mul3A_184 = arith.mulf %gather3A_179, %get3A_183 : vector<16xf32>
      %get3A_185 = arith.constant 9 : i32
      %get3A_186 = arith.index_cast %get3A_185 : i32 to index
      %get3A_187 = arith.constant 16 : index
      %get3A_188 = tpu.vector_load %arg8[%get3A_186, %get3A_187] {strides = array<i32>} : memref<48x32xf32, #tpu.memory_space<vmem>>, vector<16xf32>,
      %mul3A_189 = arith.mulf %gather3A_179, %get3A_188 : vector<16xf32>
      %add3A_190 = arith.addf %add3A_173, %mul3A_184 : vector<16xf32>
      %add3A_191 = arith.addf %add3A_174, %mul3A_189 : vector<16xf32>
      %max3A_192 = arith.maximumf %max3A_175, %mul3A_184 : vector<16xf32>
      %max3A_193 = arith.maximumf %max3A_176, %mul3A_189 : vector<16xf32>
      %broadcast_in_dim3A_194 = arith.constant 10 : i32
      %broadcast_in_dim3A_195 = vector.broadcast %broadcast_in_dim3A_194 : i32 to vector<16xi32>
      %gather3A_196 = tpu.vector_load_idx %arg7[%broadcast_in_dim3A, %broadcast_in_dim3A_195] : memref<320x48xf32, #tpu.memory_space<vmem>>[vector<16xi32>, vector<16xi32>], vector<16xf32>,
      %get3A_197 = arith.constant 10 : i32
      %get3A_198 = arith.index_cast %get3A_197 : i32 to index
      %get3A_199 = arith.constant 0 : index
      %get3A_200 = tpu.vector_load %arg8[%get3A_198, %get3A_199] {strides = array<i32>} : memref<48x32xf32, #tpu.memory_space<vmem>>, vector<16xf32>,
      %mul3A_201 = arith.mulf %gather3A_196, %get3A_200 : vector<16xf32>
      %get3A_202 = arith.constant 10 : i32
      %get3A_203 = arith.index_cast %get3A_202 : i32 to index
      %get3A_204 = arith.constant 16 : index
      %get3A_205 = tpu.vector_load %arg8[%get3A_203, %get3A_204] {strides = array<i32>} : memref<48x32xf32, #tpu.memory_space<vmem>>, vector<16xf32>,
      %mul3A_206 = arith.mulf %gather3A_196, %get3A_205 : vector<16xf32>
      %add3A_207 = arith.addf %add3A_190, %mul3A_201 : vector<16xf32>
      %add3A_208 = arith.addf %add3A_191, %mul3A_206 : vector<16xf32>
      %max3A_209 = arith.maximumf %max3A_192, %mul3A_201 : vector<16xf32>
      %max3A_210 = arith.maximumf %max3A_193, %mul3A_206 : vector<16xf32>
      %broadcast_in_dim3A_211 = arith.constant 11 : i32
      %broadcast_in_dim3A_212 = vector.broadcast %broadcast_in_dim3A_211 : i32 to vector<16xi32>
      %gather3A_213 = tpu.vector_load_idx %arg7[%broadcast_in_dim3A, %broadcast_in_dim3A_212] : memref<320x48xf32, #tpu.memory_space<vmem>>[vector<16xi32>, vector<16xi32>], vector<16xf32>,
      %get3A_214 = arith.constant 11 : i32
      %get3A_215 = arith.index_cast %get3A_214 : i32 to index
      %get3A_216 = arith.constant 0 : index
      %get3A_217 = tpu.vector_load %arg8[%get3A_215, %get3A_216] {strides = array<i32>} : memref<48x32xf32, #tpu.memory_space<vmem>>, vector<16xf32>,
      %mul3A_218 = arith.mulf %gather3A_213, %get3A_217 : vector<16xf32>
      %get3A_219 = arith.constant 11 : i32
      %get3A_220 = arith.index_cast %get3A_219 : i32 to index
      %get3A_221 = arith.constant 16 : index
      %get3A_222 = tpu.vector_load %arg8[%get3A_220, %get3A_221] {strides = array<i32>} : memref<48x32xf32, #tpu.memory_space<vmem>>, vector<16xf32>,
      %mul3A_223 = arith.mulf %gather3A_213, %get3A_222 : vector<16xf32>
      %add3A_224 = arith.addf %add3A_207, %mul3A_218 : vector<16xf32>
      %add3A_225 = arith.addf %add3A_208, %mul3A_223 : vector<16xf32>
      %max3A_226 = arith.maximumf %max3A_209, %mul3A_218 : vector<16xf32>
      %max3A_227 = arith.maximumf %max3A_210, %mul3A_223 : vector<16xf32>
      %broadcast_in_dim3A_228 = arith.constant 12 : i32
      %broadcast_in_dim3A_229 = vector.broadcast %broadcast_in_dim3A_228 : i32 to vector<16xi32>
      %gather3A_230 = tpu.vector_load_idx %arg7[%broadcast_in_dim3A, %broadcast_in_dim3A_229] : memref<320x48xf32, #tpu.memory_space<vmem>>[vector<16xi32>, vector<16xi32>], vector<16xf32>,
      %get3A_231 = arith.constant 12 : i32
      %get3A_232 = arith.index_cast %get3A_231 : i32 to index
      %get3A_233 = arith.constant 0 : index
      %get3A_234 = tpu.vector_load %arg8[%get3A_232, %get3A_233] {strides = array<i32>} : memref<48x32xf32, #tpu.memory_space<vmem>>, vector<16xf32>,
      %mul3A_235 = arith.mulf %gather3A_230, %get3A_234 : vector<16xf32>
      %get3A_236 = arith.constant 12 : i32
      %get3A_237 = arith.index_cast %get3A_236 : i32 to index
      %get3A_238 = arith.constant 16 : index
      %get3A_239 = tpu.vector_load %arg8[%get3A_237, %get3A_238] {strides = array<i32>} : memref<48x32xf32, #tpu.memory_space<vmem>>, vector<16xf32>,
      %mul3A_240 = arith.mulf %gather3A_230, %get3A_239 : vector<16xf32>
      %add3A_241 = arith.addf %add3A_224, %mul3A_235 : vector<16xf32>
      %add3A_242 = arith.addf %add3A_225, %mul3A_240 : vector<16xf32>
      %max3A_243 = arith.maximumf %max3A_226, %mul3A_235 : vector<16xf32>
      %max3A_244 = arith.maximumf %max3A_227, %mul3A_240 : vector<16xf32>
      %broadcast_in_dim3A_245 = arith.constant 13 : i32
      %broadcast_in_dim3A_246 = vector.broadcast %broadcast_in_dim3A_245 : i32 to vector<16xi32>
      %gather3A_247 = tpu.vector_load_idx %arg7[%broadcast_in_dim3A, %broadcast_in_dim3A_246] : memref<320x48xf32, #tpu.memory_space<vmem>>[vector<16xi32>, vector<16xi32>], vector<16xf32>,
      %get3A_248 = arith.constant 13 : i32
      %get3A_249 = arith.index_cast %get3A_248 : i32 to index
      %get3A_250 = arith.constant 0 : index
      %get3A_251 = tpu.vector_load %arg8[%get3A_249, %get3A_250] {strides = array<i32>} : memref<48x32xf32, #tpu.memory_space<vmem>>, vector<16xf32>,
      %mul3A_252 = arith.mulf %gather3A_247, %get3A_251 : vector<16xf32>
      %get3A_253 = arith.constant 13 : i32
      %get3A_254 = arith.index_cast %get3A_253 : i32 to index
      %get3A_255 = arith.constant 16 : index
      %get3A_256 = tpu.vector_load %arg8[%get3A_254, %get3A_255] {strides = array<i32>} : memref<48x32xf32, #tpu.memory_space<vmem>>, vector<16xf32>,
      %mul3A_257 = arith.mulf %gather3A_247, %get3A_256 : vector<16xf32>
      %add3A_258 = arith.addf %add3A_241, %mul3A_252 : vector<16xf32>
      %add3A_259 = arith.addf %add3A_242, %mul3A_257 : vector<16xf32>
      %max3A_260 = arith.maximumf %max3A_243, %mul3A_252 : vector<16xf32>
      %max3A_261 = arith.maximumf %max3A_244, %mul3A_257 : vector<16xf32>
      %broadcast_in_dim3A_262 = arith.constant 14 : i32
      %broadcast_in_dim3A_263 = vector.broadcast %broadcast_in_dim3A_262 : i32 to vector<16xi32>
      %gather3A_264 = tpu.vector_load_idx %arg7[%broadcast_in_dim3A, %broadcast_in_dim3A_263] : memref<320x48xf32, #tpu.memory_space<vmem>>[vector<16xi32>, vector<16xi32>], vector<16xf32>,
      %get3A_265 = arith.constant 14 : i32
      %get3A_266 = arith.index_cast %get3A_265 : i32 to index
      %get3A_267 = arith.constant 0 : index
      %get3A_268 = tpu.vector_load %arg8[%get3A_266, %get3A_267] {strides = array<i32>} : memref<48x32xf32, #tpu.memory_space<vmem>>, vector<16xf32>,
      %mul3A_269 = arith.mulf %gather3A_264, %get3A_268 : vector<16xf32>
      %get3A_270 = arith.constant 14 : i32
      %get3A_271 = arith.index_cast %get3A_270 : i32 to index
      %get3A_272 = arith.constant 16 : index
      %get3A_273 = tpu.vector_load %arg8[%get3A_271, %get3A_272] {strides = array<i32>} : memref<48x32xf32, #tpu.memory_space<vmem>>, vector<16xf32>,
      %mul3A_274 = arith.mulf %gather3A_264, %get3A_273 : vector<16xf32>
      %add3A_275 = arith.addf %add3A_258, %mul3A_269 : vector<16xf32>
      %add3A_276 = arith.addf %add3A_259, %mul3A_274 : vector<16xf32>
      %max3A_277 = arith.maximumf %max3A_260, %mul3A_269 : vector<16xf32>
      %max3A_278 = arith.maximumf %max3A_261, %mul3A_274 : vector<16xf32>
      %broadcast_in_dim3A_279 = arith.constant 15 : i32
      %broadcast_in_dim3A_280 = vector.broadcast %broadcast_in_dim3A_279 : i32 to vector<16xi32>
      %gather3A_281 = tpu.vector_load_idx %arg7[%broadcast_in_dim3A, %broadcast_in_dim3A_280] : memref<320x48xf32, #tpu.memory_space<vmem>>[vector<16xi32>, vector<16xi32>], vector<16xf32>,
      %get3A_282 = arith.constant 15 : i32
      %get3A_283 = arith.index_cast %get3A_282 : i32 to index
      %get3A_284 = arith.constant 0 : index
      %get3A_285 = tpu.vector_load %arg8[%get3A_283, %get3A_284] {strides = array<i32>} : memref<48x32xf32, #tpu.memory_space<vmem>>, vector<16xf32>,
      %mul3A_286 = arith.mulf %gather3A_281, %get3A_285 : vector<16xf32>
      %get3A_287 = arith.constant 15 : i32
      %get3A_288 = arith.index_cast %get3A_287 : i32 to index
      %get3A_289 = arith.constant 16 : index
      %get3A_290 = tpu.vector_load %arg8[%get3A_288, %get3A_289] {strides = array<i32>} : memref<48x32xf32, #tpu.memory_space<vmem>>, vector<16xf32>,
      %mul3A_291 = arith.mulf %gather3A_281, %get3A_290 : vector<16xf32>
      %add3A_292 = arith.addf %add3A_275, %mul3A_286 : vector<16xf32>
      %add3A_293 = arith.addf %add3A_276, %mul3A_291 : vector<16xf32>
      %max3A_294 = arith.maximumf %max3A_277, %mul3A_286 : vector<16xf32>
      %max3A_295 = arith.maximumf %max3A_278, %mul3A_291 : vector<16xf32>
      %broadcast_in_dim3A_296 = arith.constant 16 : i32
      %broadcast_in_dim3A_297 = vector.broadcast %broadcast_in_dim3A_296 : i32 to vector<16xi32>
      %gather3A_298 = tpu.vector_load_idx %arg7[%broadcast_in_dim3A, %broadcast_in_dim3A_297] : memref<320x48xf32, #tpu.memory_space<vmem>>[vector<16xi32>, vector<16xi32>], vector<16xf32>,
      %get3A_299 = arith.constant 16 : i32
      %get3A_300 = arith.index_cast %get3A_299 : i32 to index
      %get3A_301 = arith.constant 0 : index
      %get3A_302 = tpu.vector_load %arg8[%get3A_300, %get3A_301] {strides = array<i32>} : memref<48x32xf32, #tpu.memory_space<vmem>>, vector<16xf32>,
      %mul3A_303 = arith.mulf %gather3A_298, %get3A_302 : vector<16xf32>
      %get3A_304 = arith.constant 16 : i32
      %get3A_305 = arith.index_cast %get3A_304 : i32 to index
      %get3A_306 = arith.constant 16 : index
      %get3A_307 = tpu.vector_load %arg8[%get3A_305, %get3A_306] {strides = array<i32>} : memref<48x32xf32, #tpu.memory_space<vmem>>, vector<16xf32>,
      %mul3A_308 = arith.mulf %gather3A_298, %get3A_307 : vector<16xf32>
      %add3A_309 = arith.addf %add3A_292, %mul3A_303 : vector<16xf32>
      %add3A_310 = arith.addf %add3A_293, %mul3A_308 : vector<16xf32>
      %max3A_311 = arith.maximumf %max3A_294, %mul3A_303 : vector<16xf32>
      %max3A_312 = arith.maximumf %max3A_295, %mul3A_308 : vector<16xf32>
      %broadcast_in_dim3A_313 = arith.constant 17 : i32
      %broadcast_in_dim3A_314 = vector.broadcast %broadcast_in_dim3A_313 : i32 to vector<16xi32>
      %gather3A_315 = tpu.vector_load_idx %arg7[%broadcast_in_dim3A, %broadcast_in_dim3A_314] : memref<320x48xf32, #tpu.memory_space<vmem>>[vector<16xi32>, vector<16xi32>], vector<16xf32>,
      %get3A_316 = arith.constant 17 : i32
      %get3A_317 = arith.index_cast %get3A_316 : i32 to index
      %get3A_318 = arith.constant 0 : index
      %get3A_319 = tpu.vector_load %arg8[%get3A_317, %get3A_318] {strides = array<i32>} : memref<48x32xf32, #tpu.memory_space<vmem>>, vector<16xf32>,
      %mul3A_320 = arith.mulf %gather3A_315, %get3A_319 : vector<16xf32>
      %get3A_321 = arith.constant 17 : i32
      %get3A_322 = arith.index_cast %get3A_321 : i32 to index
      %get3A_323 = arith.constant 16 : index
      %get3A_324 = tpu.vector_load %arg8[%get3A_322, %get3A_323] {strides = array<i32>} : memref<48x32xf32, #tpu.memory_space<vmem>>, vector<16xf32>,
      %mul3A_325 = arith.mulf %gather3A_315, %get3A_324 : vector<16xf32>
      %add3A_326 = arith.addf %add3A_309, %mul3A_320 : vector<16xf32>
      %add3A_327 = arith.addf %add3A_310, %mul3A_325 : vector<16xf32>
      %max3A_328 = arith.maximumf %max3A_311, %mul3A_320 : vector<16xf32>
      %max3A_329 = arith.maximumf %max3A_312, %mul3A_325 : vector<16xf32>
      %broadcast_in_dim3A_330 = arith.constant 18 : i32
      %broadcast_in_dim3A_331 = vector.broadcast %broadcast_in_dim3A_330 : i32 to vector<16xi32>
      %gather3A_332 = tpu.vector_load_idx %arg7[%broadcast_in_dim3A, %broadcast_in_dim3A_331] : memref<320x48xf32, #tpu.memory_space<vmem>>[vector<16xi32>, vector<16xi32>], vector<16xf32>,
      %get3A_333 = arith.constant 18 : i32
      %get3A_334 = arith.index_cast %get3A_333 : i32 to index
      %get3A_335 = arith.constant 0 : index
      %get3A_336 = tpu.vector_load %arg8[%get3A_334, %get3A_335] {strides = array<i32>} : memref<48x32xf32, #tpu.memory_space<vmem>>, vector<16xf32>,
      %mul3A_337 = arith.mulf %gather3A_332, %get3A_336 : vector<16xf32>
      %get3A_338 = arith.constant 18 : i32
      %get3A_339 = arith.index_cast %get3A_338 : i32 to index
      %get3A_340 = arith.constant 16 : index
      %get3A_341 = tpu.vector_load %arg8[%get3A_339, %get3A_340] {strides = array<i32>} : memref<48x32xf32, #tpu.memory_space<vmem>>, vector<16xf32>,
      %mul3A_342 = arith.mulf %gather3A_332, %get3A_341 : vector<16xf32>
      %add3A_343 = arith.addf %add3A_326, %mul3A_337 : vector<16xf32>
      %add3A_344 = arith.addf %add3A_327, %mul3A_342 : vector<16xf32>
      %max3A_345 = arith.maximumf %max3A_328, %mul3A_337 : vector<16xf32>
      %max3A_346 = arith.maximumf %max3A_329, %mul3A_342 : vector<16xf32>
      %broadcast_in_dim3A_347 = arith.constant 19 : i32
      %broadcast_in_dim3A_348 = vector.broadcast %broadcast_in_dim3A_347 : i32 to vector<16xi32>
      %gather3A_349 = tpu.vector_load_idx %arg7[%broadcast_in_dim3A, %broadcast_in_dim3A_348] : memref<320x48xf32, #tpu.memory_space<vmem>>[vector<16xi32>, vector<16xi32>], vector<16xf32>,
      %get3A_350 = arith.constant 19 : i32
      %get3A_351 = arith.index_cast %get3A_350 : i32 to index
      %get3A_352 = arith.constant 0 : index
      %get3A_353 = tpu.vector_load %arg8[%get3A_351, %get3A_352] {strides = array<i32>} : memref<48x32xf32, #tpu.memory_space<vmem>>, vector<16xf32>,
      %mul3A_354 = arith.mulf %gather3A_349, %get3A_353 : vector<16xf32>
      %get3A_355 = arith.constant 19 : i32
      %get3A_356 = arith.index_cast %get3A_355 : i32 to index
      %get3A_357 = arith.constant 16 : index
      %get3A_358 = tpu.vector_load %arg8[%get3A_356, %get3A_357] {strides = array<i32>} : memref<48x32xf32, #tpu.memory_space<vmem>>, vector<16xf32>,
      %mul3A_359 = arith.mulf %gather3A_349, %get3A_358 : vector<16xf32>
      %add3A_360 = arith.addf %add3A_343, %mul3A_354 : vector<16xf32>
      %add3A_361 = arith.addf %add3A_344, %mul3A_359 : vector<16xf32>
      %max3A_362 = arith.maximumf %max3A_345, %mul3A_354 : vector<16xf32>
      %max3A_363 = arith.maximumf %max3A_346, %mul3A_359 : vector<16xf32>
      %broadcast_in_dim3A_364 = arith.constant 20 : i32
      %broadcast_in_dim3A_365 = vector.broadcast %broadcast_in_dim3A_364 : i32 to vector<16xi32>
      %gather3A_366 = tpu.vector_load_idx %arg7[%broadcast_in_dim3A, %broadcast_in_dim3A_365] : memref<320x48xf32, #tpu.memory_space<vmem>>[vector<16xi32>, vector<16xi32>], vector<16xf32>,
      %get3A_367 = arith.constant 20 : i32
      %get3A_368 = arith.index_cast %get3A_367 : i32 to index
      %get3A_369 = arith.constant 0 : index
      %get3A_370 = tpu.vector_load %arg8[%get3A_368, %get3A_369] {strides = array<i32>} : memref<48x32xf32, #tpu.memory_space<vmem>>, vector<16xf32>,
      %mul3A_371 = arith.mulf %gather3A_366, %get3A_370 : vector<16xf32>
      %get3A_372 = arith.constant 20 : i32
      %get3A_373 = arith.index_cast %get3A_372 : i32 to index
      %get3A_374 = arith.constant 16 : index
      %get3A_375 = tpu.vector_load %arg8[%get3A_373, %get3A_374] {strides = array<i32>} : memref<48x32xf32, #tpu.memory_space<vmem>>, vector<16xf32>,
      %mul3A_376 = arith.mulf %gather3A_366, %get3A_375 : vector<16xf32>
      %add3A_377 = arith.addf %add3A_360, %mul3A_371 : vector<16xf32>
      %add3A_378 = arith.addf %add3A_361, %mul3A_376 : vector<16xf32>
      %max3A_379 = arith.maximumf %max3A_362, %mul3A_371 : vector<16xf32>
      %max3A_380 = arith.maximumf %max3A_363, %mul3A_376 : vector<16xf32>
      %broadcast_in_dim3A_381 = arith.constant 21 : i32
      %broadcast_in_dim3A_382 = vector.broadcast %broadcast_in_dim3A_381 : i32 to vector<16xi32>
      %gather3A_383 = tpu.vector_load_idx %arg7[%broadcast_in_dim3A, %broadcast_in_dim3A_382] : memref<320x48xf32, #tpu.memory_space<vmem>>[vector<16xi32>, vector<16xi32>], vector<16xf32>,
      %get3A_384 = arith.constant 21 : i32
      %get3A_385 = arith.index_cast %get3A_384 : i32 to index
      %get3A_386 = arith.constant 0 : index
      %get3A_387 = tpu.vector_load %arg8[%get3A_385, %get3A_386] {strides = array<i32>} : memref<48x32xf32, #tpu.memory_space<vmem>>, vector<16xf32>,
      %mul3A_388 = arith.mulf %gather3A_383, %get3A_387 : vector<16xf32>
      %get3A_389 = arith.constant 21 : i32
      %get3A_390 = arith.index_cast %get3A_389 : i32 to index
      %get3A_391 = arith.constant 16 : index
      %get3A_392 = tpu.vector_load %arg8[%get3A_390, %get3A_391] {strides = array<i32>} : memref<48x32xf32, #tpu.memory_space<vmem>>, vector<16xf32>,
      %mul3A_393 = arith.mulf %gather3A_383, %get3A_392 : vector<16xf32>
      %add3A_394 = arith.addf %add3A_377, %mul3A_388 : vector<16xf32>
      %add3A_395 = arith.addf %add3A_378, %mul3A_393 : vector<16xf32>
      %max3A_396 = arith.maximumf %max3A_379, %mul3A_388 : vector<16xf32>
      %max3A_397 = arith.maximumf %max3A_380, %mul3A_393 : vector<16xf32>
      %broadcast_in_dim3A_398 = arith.constant 22 : i32
      %broadcast_in_dim3A_399 = vector.broadcast %broadcast_in_dim3A_398 : i32 to vector<16xi32>
      %gather3A_400 = tpu.vector_load_idx %arg7[%broadcast_in_dim3A, %broadcast_in_dim3A_399] : memref<320x48xf32, #tpu.memory_space<vmem>>[vector<16xi32>, vector<16xi32>], vector<16xf32>,
      %get3A_401 = arith.constant 22 : i32
      %get3A_402 = arith.index_cast %get3A_401 : i32 to index
      %get3A_403 = arith.constant 0 : index
      %get3A_404 = tpu.vector_load %arg8[%get3A_402, %get3A_403] {strides = array<i32>} : memref<48x32xf32, #tpu.memory_space<vmem>>, vector<16xf32>,
      %mul3A_405 = arith.mulf %gather3A_400, %get3A_404 : vector<16xf32>
      %get3A_406 = arith.constant 22 : i32
      %get3A_407 = arith.index_cast %get3A_406 : i32 to index
      %get3A_408 = arith.constant 16 : index
      %get3A_409 = tpu.vector_load %arg8[%get3A_407, %get3A_408] {strides = array<i32>} : memref<48x32xf32, #tpu.memory_space<vmem>>, vector<16xf32>,
      %mul3A_410 = arith.mulf %gather3A_400, %get3A_409 : vector<16xf32>
      %add3A_411 = arith.addf %add3A_394, %mul3A_405 : vector<16xf32>
      %add3A_412 = arith.addf %add3A_395, %mul3A_410 : vector<16xf32>
      %max3A_413 = arith.maximumf %max3A_396, %mul3A_405 : vector<16xf32>
      %max3A_414 = arith.maximumf %max3A_397, %mul3A_410 : vector<16xf32>
      %broadcast_in_dim3A_415 = arith.constant 23 : i32
      %broadcast_in_dim3A_416 = vector.broadcast %broadcast_in_dim3A_415 : i32 to vector<16xi32>
      %gather3A_417 = tpu.vector_load_idx %arg7[%broadcast_in_dim3A, %broadcast_in_dim3A_416] : memref<320x48xf32, #tpu.memory_space<vmem>>[vector<16xi32>, vector<16xi32>], vector<16xf32>,
      %get3A_418 = arith.constant 23 : i32
      %get3A_419 = arith.index_cast %get3A_418 : i32 to index
      %get3A_420 = arith.constant 0 : index
      %get3A_421 = tpu.vector_load %arg8[%get3A_419, %get3A_420] {strides = array<i32>} : memref<48x32xf32, #tpu.memory_space<vmem>>, vector<16xf32>,
      %mul3A_422 = arith.mulf %gather3A_417, %get3A_421 : vector<16xf32>
      %get3A_423 = arith.constant 23 : i32
      %get3A_424 = arith.index_cast %get3A_423 : i32 to index
      %get3A_425 = arith.constant 16 : index
      %get3A_426 = tpu.vector_load %arg8[%get3A_424, %get3A_425] {strides = array<i32>} : memref<48x32xf32, #tpu.memory_space<vmem>>, vector<16xf32>,
      %mul3A_427 = arith.mulf %gather3A_417, %get3A_426 : vector<16xf32>
      %add3A_428 = arith.addf %add3A_411, %mul3A_422 : vector<16xf32>
      %add3A_429 = arith.addf %add3A_412, %mul3A_427 : vector<16xf32>
      %max3A_430 = arith.maximumf %max3A_413, %mul3A_422 : vector<16xf32>
      %max3A_431 = arith.maximumf %max3A_414, %mul3A_427 : vector<16xf32>
      %broadcast_in_dim3A_432 = arith.constant 24 : i32
      %broadcast_in_dim3A_433 = vector.broadcast %broadcast_in_dim3A_432 : i32 to vector<16xi32>
      %gather3A_434 = tpu.vector_load_idx %arg7[%broadcast_in_dim3A, %broadcast_in_dim3A_433] : memref<320x48xf32, #tpu.memory_space<vmem>>[vector<16xi32>, vector<16xi32>], vector<16xf32>,
      %get3A_435 = arith.constant 24 : i32
      %get3A_436 = arith.index_cast %get3A_435 : i32 to index
      %get3A_437 = arith.constant 0 : index
      %get3A_438 = tpu.vector_load %arg8[%get3A_436, %get3A_437] {strides = array<i32>} : memref<48x32xf32, #tpu.memory_space<vmem>>, vector<16xf32>,
      %mul3A_439 = arith.mulf %gather3A_434, %get3A_438 : vector<16xf32>
      %get3A_440 = arith.constant 24 : i32
      %get3A_441 = arith.index_cast %get3A_440 : i32 to index
      %get3A_442 = arith.constant 16 : index
      %get3A_443 = tpu.vector_load %arg8[%get3A_441, %get3A_442] {strides = array<i32>} : memref<48x32xf32, #tpu.memory_space<vmem>>, vector<16xf32>,
      %mul3A_444 = arith.mulf %gather3A_434, %get3A_443 : vector<16xf32>
      %add3A_445 = arith.addf %add3A_428, %mul3A_439 : vector<16xf32>
      %add3A_446 = arith.addf %add3A_429, %mul3A_444 : vector<16xf32>
      %max3A_447 = arith.maximumf %max3A_430, %mul3A_439 : vector<16xf32>
      %max3A_448 = arith.maximumf %max3A_431, %mul3A_444 : vector<16xf32>
      %broadcast_in_dim3A_449 = arith.constant 25 : i32
      %broadcast_in_dim3A_450 = vector.broadcast %broadcast_in_dim3A_449 : i32 to vector<16xi32>
      %gather3A_451 = tpu.vector_load_idx %arg7[%broadcast_in_dim3A, %broadcast_in_dim3A_450] : memref<320x48xf32, #tpu.memory_space<vmem>>[vector<16xi32>, vector<16xi32>], vector<16xf32>,
      %get3A_452 = arith.constant 25 : i32
      %get3A_453 = arith.index_cast %get3A_452 : i32 to index
      %get3A_454 = arith.constant 0 : index
      %get3A_455 = tpu.vector_load %arg8[%get3A_453, %get3A_454] {strides = array<i32>} : memref<48x32xf32, #tpu.memory_space<vmem>>, vector<16xf32>,
      %mul3A_456 = arith.mulf %gather3A_451, %get3A_455 : vector<16xf32>
      %get3A_457 = arith.constant 25 : i32
      %get3A_458 = arith.index_cast %get3A_457 : i32 to index
      %get3A_459 = arith.constant 16 : index
      %get3A_460 = tpu.vector_load %arg8[%get3A_458, %get3A_459] {strides = array<i32>} : memref<48x32xf32, #tpu.memory_space<vmem>>, vector<16xf32>,
      %mul3A_461 = arith.mulf %gather3A_451, %get3A_460 : vector<16xf32>
      %add3A_462 = arith.addf %add3A_445, %mul3A_456 : vector<16xf32>
      %add3A_463 = arith.addf %add3A_446, %mul3A_461 : vector<16xf32>
      %max3A_464 = arith.maximumf %max3A_447, %mul3A_456 : vector<16xf32>
      %max3A_465 = arith.maximumf %max3A_448, %mul3A_461 : vector<16xf32>
      %broadcast_in_dim3A_466 = arith.constant 26 : i32
      %broadcast_in_dim3A_467 = vector.broadcast %broadcast_in_dim3A_466 : i32 to vector<16xi32>
      %gather3A_468 = tpu.vector_load_idx %arg7[%broadcast_in_dim3A, %broadcast_in_dim3A_467] : memref<320x48xf32, #tpu.memory_space<vmem>>[vector<16xi32>, vector<16xi32>], vector<16xf32>,
      %get3A_469 = arith.constant 26 : i32
      %get3A_470 = arith.index_cast %get3A_469 : i32 to index
      %get3A_471 = arith.constant 0 : index
      %get3A_472 = tpu.vector_load %arg8[%get3A_470, %get3A_471] {strides = array<i32>} : memref<48x32xf32, #tpu.memory_space<vmem>>, vector<16xf32>,
      %mul3A_473 = arith.mulf %gather3A_468, %get3A_472 : vector<16xf32>
      %get3A_474 = arith.constant 26 : i32
      %get3A_475 = arith.index_cast %get3A_474 : i32 to index
      %get3A_476 = arith.constant 16 : index
      %get3A_477 = tpu.vector_load %arg8[%get3A_475, %get3A_476] {strides = array<i32>} : memref<48x32xf32, #tpu.memory_space<vmem>>, vector<16xf32>,
      %mul3A_478 = arith.mulf %gather3A_468, %get3A_477 : vector<16xf32>
      %add3A_479 = arith.addf %add3A_462, %mul3A_473 : vector<16xf32>
      %add3A_480 = arith.addf %add3A_463, %mul3A_478 : vector<16xf32>
      %max3A_481 = arith.maximumf %max3A_464, %mul3A_473 : vector<16xf32>
      %max3A_482 = arith.maximumf %max3A_465, %mul3A_478 : vector<16xf32>
      %broadcast_in_dim3A_483 = arith.constant 27 : i32
      %broadcast_in_dim3A_484 = vector.broadcast %broadcast_in_dim3A_483 : i32 to vector<16xi32>
      %gather3A_485 = tpu.vector_load_idx %arg7[%broadcast_in_dim3A, %broadcast_in_dim3A_484] : memref<320x48xf32, #tpu.memory_space<vmem>>[vector<16xi32>, vector<16xi32>], vector<16xf32>,
      %get3A_486 = arith.constant 27 : i32
      %get3A_487 = arith.index_cast %get3A_486 : i32 to index
      %get3A_488 = arith.constant 0 : index
      %get3A_489 = tpu.vector_load %arg8[%get3A_487, %get3A_488] {strides = array<i32>} : memref<48x32xf32, #tpu.memory_space<vmem>>, vector<16xf32>,
      %mul3A_490 = arith.mulf %gather3A_485, %get3A_489 : vector<16xf32>
      %get3A_491 = arith.constant 27 : i32
      %get3A_492 = arith.index_cast %get3A_491 : i32 to index
      %get3A_493 = arith.constant 16 : index
      %get3A_494 = tpu.vector_load %arg8[%get3A_492, %get3A_493] {strides = array<i32>} : memref<48x32xf32, #tpu.memory_space<vmem>>, vector<16xf32>,
      %mul3A_495 = arith.mulf %gather3A_485, %get3A_494 : vector<16xf32>
      %add3A_496 = arith.addf %add3A_479, %mul3A_490 : vector<16xf32>
      %add3A_497 = arith.addf %add3A_480, %mul3A_495 : vector<16xf32>
      %max3A_498 = arith.maximumf %max3A_481, %mul3A_490 : vector<16xf32>
      %max3A_499 = arith.maximumf %max3A_482, %mul3A_495 : vector<16xf32>
      %broadcast_in_dim3A_500 = arith.constant 28 : i32
      %broadcast_in_dim3A_501 = vector.broadcast %broadcast_in_dim3A_500 : i32 to vector<16xi32>
      %gather3A_502 = tpu.vector_load_idx %arg7[%broadcast_in_dim3A, %broadcast_in_dim3A_501] : memref<320x48xf32, #tpu.memory_space<vmem>>[vector<16xi32>, vector<16xi32>], vector<16xf32>,
      %get3A_503 = arith.constant 28 : i32
      %get3A_504 = arith.index_cast %get3A_503 : i32 to index
      %get3A_505 = arith.constant 0 : index
      %get3A_506 = tpu.vector_load %arg8[%get3A_504, %get3A_505] {strides = array<i32>} : memref<48x32xf32, #tpu.memory_space<vmem>>, vector<16xf32>,
      %mul3A_507 = arith.mulf %gather3A_502, %get3A_506 : vector<16xf32>
      %get3A_508 = arith.constant 28 : i32
      %get3A_509 = arith.index_cast %get3A_508 : i32 to index
      %get3A_510 = arith.constant 16 : index
      %get3A_511 = tpu.vector_load %arg8[%get3A_509, %get3A_510] {strides = array<i32>} : memref<48x32xf32, #tpu.memory_space<vmem>>, vector<16xf32>,
      %mul3A_512 = arith.mulf %gather3A_502, %get3A_511 : vector<16xf32>
      %add3A_513 = arith.addf %add3A_496, %mul3A_507 : vector<16xf32>
      %add3A_514 = arith.addf %add3A_497, %mul3A_512 : vector<16xf32>
      %max3A_515 = arith.maximumf %max3A_498, %mul3A_507 : vector<16xf32>
      %max3A_516 = arith.maximumf %max3A_499, %mul3A_512 : vector<16xf32>
      %broadcast_in_dim3A_517 = arith.constant 29 : i32
      %broadcast_in_dim3A_518 = vector.broadcast %broadcast_in_dim3A_517 : i32 to vector<16xi32>
      %gather3A_519 = tpu.vector_load_idx %arg7[%broadcast_in_dim3A, %broadcast_in_dim3A_518] : memref<320x48xf32, #tpu.memory_space<vmem>>[vector<16xi32>, vector<16xi32>], vector<16xf32>,
      %get3A_520 = arith.constant 29 : i32
      %get3A_521 = arith.index_cast %get3A_520 : i32 to index
      %get3A_522 = arith.constant 0 : index
      %get3A_523 = tpu.vector_load %arg8[%get3A_521, %get3A_522] {strides = array<i32>} : memref<48x32xf32, #tpu.memory_space<vmem>>, vector<16xf32>,
      %mul3A_524 = arith.mulf %gather3A_519, %get3A_523 : vector<16xf32>
      %get3A_525 = arith.constant 29 : i32
      %get3A_526 = arith.index_cast %get3A_525 : i32 to index
      %get3A_527 = arith.constant 16 : index
      %get3A_528 = tpu.vector_load %arg8[%get3A_526, %get3A_527] {strides = array<i32>} : memref<48x32xf32, #tpu.memory_space<vmem>>, vector<16xf32>,
      %mul3A_529 = arith.mulf %gather3A_519, %get3A_528 : vector<16xf32>
      %add3A_530 = arith.addf %add3A_513, %mul3A_524 : vector<16xf32>
      %add3A_531 = arith.addf %add3A_514, %mul3A_529 : vector<16xf32>
      %max3A_532 = arith.maximumf %max3A_515, %mul3A_524 : vector<16xf32>
      %max3A_533 = arith.maximumf %max3A_516, %mul3A_529 : vector<16xf32>
      %broadcast_in_dim3A_534 = arith.constant 30 : i32
      %broadcast_in_dim3A_535 = vector.broadcast %broadcast_in_dim3A_534 : i32 to vector<16xi32>
      %gather3A_536 = tpu.vector_load_idx %arg7[%broadcast_in_dim3A, %broadcast_in_dim3A_535] : memref<320x48xf32, #tpu.memory_space<vmem>>[vector<16xi32>, vector<16xi32>], vector<16xf32>,
      %get3A_537 = arith.constant 30 : i32
      %get3A_538 = arith.index_cast %get3A_537 : i32 to index
      %get3A_539 = arith.constant 0 : index
      %get3A_540 = tpu.vector_load %arg8[%get3A_538, %get3A_539] {strides = array<i32>} : memref<48x32xf32, #tpu.memory_space<vmem>>, vector<16xf32>,
      %mul3A_541 = arith.mulf %gather3A_536, %get3A_540 : vector<16xf32>
      %get3A_542 = arith.constant 30 : i32
      %get3A_543 = arith.index_cast %get3A_542 : i32 to index
      %get3A_544 = arith.constant 16 : index
      %get3A_545 = tpu.vector_load %arg8[%get3A_543, %get3A_544] {strides = array<i32>} : memref<48x32xf32, #tpu.memory_space<vmem>>, vector<16xf32>,
      %mul3A_546 = arith.mulf %gather3A_536, %get3A_545 : vector<16xf32>
      %add3A_547 = arith.addf %add3A_530, %mul3A_541 : vector<16xf32>
      %add3A_548 = arith.addf %add3A_531, %mul3A_546 : vector<16xf32>
      %max3A_549 = arith.maximumf %max3A_532, %mul3A_541 : vector<16xf32>
      %max3A_550 = arith.maximumf %max3A_533, %mul3A_546 : vector<16xf32>
      %broadcast_in_dim3A_551 = arith.constant 31 : i32
      %broadcast_in_dim3A_552 = vector.broadcast %broadcast_in_dim3A_551 : i32 to vector<16xi32>
      %gather3A_553 = tpu.vector_load_idx %arg7[%broadcast_in_dim3A, %broadcast_in_dim3A_552] : memref<320x48xf32, #tpu.memory_space<vmem>>[vector<16xi32>, vector<16xi32>], vector<16xf32>,
      %get3A_554 = arith.constant 31 : i32
      %get3A_555 = arith.index_cast %get3A_554 : i32 to index
      %get3A_556 = arith.constant 0 : index
      %get3A_557 = tpu.vector_load %arg8[%get3A_555, %get3A_556] {strides = array<i32>} : memref<48x32xf32, #tpu.memory_space<vmem>>, vector<16xf32>,
      %mul3A_558 = arith.mulf %gather3A_553, %get3A_557 : vector<16xf32>
      %get3A_559 = arith.constant 31 : i32
      %get3A_560 = arith.index_cast %get3A_559 : i32 to index
      %get3A_561 = arith.constant 16 : index
      %get3A_562 = tpu.vector_load %arg8[%get3A_560, %get3A_561] {strides = array<i32>} : memref<48x32xf32, #tpu.memory_space<vmem>>, vector<16xf32>,
      %mul3A_563 = arith.mulf %gather3A_553, %get3A_562 : vector<16xf32>
      %add3A_564 = arith.addf %add3A_547, %mul3A_558 : vector<16xf32>
      %add3A_565 = arith.addf %add3A_548, %mul3A_563 : vector<16xf32>
      %max3A_566 = arith.maximumf %max3A_549, %mul3A_558 : vector<16xf32>
      %max3A_567 = arith.maximumf %max3A_550, %mul3A_563 : vector<16xf32>
      %broadcast_in_dim3A_568 = arith.constant 32 : i32
      %broadcast_in_dim3A_569 = vector.broadcast %broadcast_in_dim3A_568 : i32 to vector<16xi32>
      %gather3A_570 = tpu.vector_load_idx %arg7[%broadcast_in_dim3A, %broadcast_in_dim3A_569] : memref<320x48xf32, #tpu.memory_space<vmem>>[vector<16xi32>, vector<16xi32>], vector<16xf32>,
      %get3A_571 = arith.constant 32 : i32
      %get3A_572 = arith.index_cast %get3A_571 : i32 to index
      %get3A_573 = arith.constant 0 : index
      %get3A_574 = tpu.vector_load %arg8[%get3A_572, %get3A_573] {strides = array<i32>} : memref<48x32xf32, #tpu.memory_space<vmem>>, vector<16xf32>,
      %mul3A_575 = arith.mulf %gather3A_570, %get3A_574 : vector<16xf32>
      %get3A_576 = arith.constant 32 : i32
      %get3A_577 = arith.index_cast %get3A_576 : i32 to index
      %get3A_578 = arith.constant 16 : index
      %get3A_579 = tpu.vector_load %arg8[%get3A_577, %get3A_578] {strides = array<i32>} : memref<48x32xf32, #tpu.memory_space<vmem>>, vector<16xf32>,
      %mul3A_580 = arith.mulf %gather3A_570, %get3A_579 : vector<16xf32>
      %add3A_581 = arith.addf %add3A_564, %mul3A_575 : vector<16xf32>
      %add3A_582 = arith.addf %add3A_565, %mul3A_580 : vector<16xf32>
      %max3A_583 = arith.maximumf %max3A_566, %mul3A_575 : vector<16xf32>
      %max3A_584 = arith.maximumf %max3A_567, %mul3A_580 : vector<16xf32>
      %broadcast_in_dim3A_585 = arith.constant 33 : i32
      %broadcast_in_dim3A_586 = vector.broadcast %broadcast_in_dim3A_585 : i32 to vector<16xi32>
      %gather3A_587 = tpu.vector_load_idx %arg7[%broadcast_in_dim3A, %broadcast_in_dim3A_586] : memref<320x48xf32, #tpu.memory_space<vmem>>[vector<16xi32>, vector<16xi32>], vector<16xf32>,
      %get3A_588 = arith.constant 33 : i32
      %get3A_589 = arith.index_cast %get3A_588 : i32 to index
      %get3A_590 = arith.constant 0 : index
      %get3A_591 = tpu.vector_load %arg8[%get3A_589, %get3A_590] {strides = array<i32>} : memref<48x32xf32, #tpu.memory_space<vmem>>, vector<16xf32>,
      %mul3A_592 = arith.mulf %gather3A_587, %get3A_591 : vector<16xf32>
      %get3A_593 = arith.constant 33 : i32
      %get3A_594 = arith.index_cast %get3A_593 : i32 to index
      %get3A_595 = arith.constant 16 : index
      %get3A_596 = tpu.vector_load %arg8[%get3A_594, %get3A_595] {strides = array<i32>} : memref<48x32xf32, #tpu.memory_space<vmem>>, vector<16xf32>,
      %mul3A_597 = arith.mulf %gather3A_587, %get3A_596 : vector<16xf32>
      %add3A_598 = arith.addf %add3A_581, %mul3A_592 : vector<16xf32>
      %add3A_599 = arith.addf %add3A_582, %mul3A_597 : vector<16xf32>
      %max3A_600 = arith.maximumf %max3A_583, %mul3A_592 : vector<16xf32>
      %max3A_601 = arith.maximumf %max3A_584, %mul3A_597 : vector<16xf32>
      %broadcast_in_dim3A_602 = arith.constant 34 : i32
      %broadcast_in_dim3A_603 = vector.broadcast %broadcast_in_dim3A_602 : i32 to vector<16xi32>
      %gather3A_604 = tpu.vector_load_idx %arg7[%broadcast_in_dim3A, %broadcast_in_dim3A_603] : memref<320x48xf32, #tpu.memory_space<vmem>>[vector<16xi32>, vector<16xi32>], vector<16xf32>,
      %get3A_605 = arith.constant 34 : i32
      %get3A_606 = arith.index_cast %get3A_605 : i32 to index
      %get3A_607 = arith.constant 0 : index
      %get3A_608 = tpu.vector_load %arg8[%get3A_606, %get3A_607] {strides = array<i32>} : memref<48x32xf32, #tpu.memory_space<vmem>>, vector<16xf32>,
      %mul3A_609 = arith.mulf %gather3A_604, %get3A_608 : vector<16xf32>
      %get3A_610 = arith.constant 34 : i32
      %get3A_611 = arith.index_cast %get3A_610 : i32 to index
      %get3A_612 = arith.constant 16 : index
      %get3A_613 = tpu.vector_load %arg8[%get3A_611, %get3A_612] {strides = array<i32>} : memref<48x32xf32, #tpu.memory_space<vmem>>, vector<16xf32>,
      %mul3A_614 = arith.mulf %gather3A_604, %get3A_613 : vector<16xf32>
      %add3A_615 = arith.addf %add3A_598, %mul3A_609 : vector<16xf32>
      %add3A_616 = arith.addf %add3A_599, %mul3A_614 : vector<16xf32>
      %max3A_617 = arith.maximumf %max3A_600, %mul3A_609 : vector<16xf32>
      %max3A_618 = arith.maximumf %max3A_601, %mul3A_614 : vector<16xf32>
      %broadcast_in_dim3A_619 = arith.constant 35 : i32
      %broadcast_in_dim3A_620 = vector.broadcast %broadcast_in_dim3A_619 : i32 to vector<16xi32>
      %gather3A_621 = tpu.vector_load_idx %arg7[%broadcast_in_dim3A, %broadcast_in_dim3A_620] : memref<320x48xf32, #tpu.memory_space<vmem>>[vector<16xi32>, vector<16xi32>], vector<16xf32>,
      %get3A_622 = arith.constant 35 : i32
      %get3A_623 = arith.index_cast %get3A_622 : i32 to index
      %get3A_624 = arith.constant 0 : index
      %get3A_625 = tpu.vector_load %arg8[%get3A_623, %get3A_624] {strides = array<i32>} : memref<48x32xf32, #tpu.memory_space<vmem>>, vector<16xf32>,
      %mul3A_626 = arith.mulf %gather3A_621, %get3A_625 : vector<16xf32>
      %get3A_627 = arith.constant 35 : i32
      %get3A_628 = arith.index_cast %get3A_627 : i32 to index
      %get3A_629 = arith.constant 16 : index
      %get3A_630 = tpu.vector_load %arg8[%get3A_628, %get3A_629] {strides = array<i32>} : memref<48x32xf32, #tpu.memory_space<vmem>>, vector<16xf32>,
      %mul3A_631 = arith.mulf %gather3A_621, %get3A_630 : vector<16xf32>
      %add3A_632 = arith.addf %add3A_615, %mul3A_626 : vector<16xf32>
      %add3A_633 = arith.addf %add3A_616, %mul3A_631 : vector<16xf32>
      %max3A_634 = arith.maximumf %max3A_617, %mul3A_626 : vector<16xf32>
      %max3A_635 = arith.maximumf %max3A_618, %mul3A_631 : vector<16xf32>
      %broadcast_in_dim3A_636 = arith.constant 36 : i32
      %broadcast_in_dim3A_637 = vector.broadcast %broadcast_in_dim3A_636 : i32 to vector<16xi32>
      %gather3A_638 = tpu.vector_load_idx %arg7[%broadcast_in_dim3A, %broadcast_in_dim3A_637] : memref<320x48xf32, #tpu.memory_space<vmem>>[vector<16xi32>, vector<16xi32>], vector<16xf32>,
      %get3A_639 = arith.constant 36 : i32
      %get3A_640 = arith.index_cast %get3A_639 : i32 to index
      %get3A_641 = arith.constant 0 : index
      %get3A_642 = tpu.vector_load %arg8[%get3A_640, %get3A_641] {strides = array<i32>} : memref<48x32xf32, #tpu.memory_space<vmem>>, vector<16xf32>,
      %mul3A_643 = arith.mulf %gather3A_638, %get3A_642 : vector<16xf32>
      %get3A_644 = arith.constant 36 : i32
      %get3A_645 = arith.index_cast %get3A_644 : i32 to index
      %get3A_646 = arith.constant 16 : index
      %get3A_647 = tpu.vector_load %arg8[%get3A_645, %get3A_646] {strides = array<i32>} : memref<48x32xf32, #tpu.memory_space<vmem>>, vector<16xf32>,
      %mul3A_648 = arith.mulf %gather3A_638, %get3A_647 : vector<16xf32>
      %add3A_649 = arith.addf %add3A_632, %mul3A_643 : vector<16xf32>
      %add3A_650 = arith.addf %add3A_633, %mul3A_648 : vector<16xf32>
      %max3A_651 = arith.maximumf %max3A_634, %mul3A_643 : vector<16xf32>
      %max3A_652 = arith.maximumf %max3A_635, %mul3A_648 : vector<16xf32>
      %broadcast_in_dim3A_653 = arith.constant 37 : i32
      %broadcast_in_dim3A_654 = vector.broadcast %broadcast_in_dim3A_653 : i32 to vector<16xi32>
      %gather3A_655 = tpu.vector_load_idx %arg7[%broadcast_in_dim3A, %broadcast_in_dim3A_654] : memref<320x48xf32, #tpu.memory_space<vmem>>[vector<16xi32>, vector<16xi32>], vector<16xf32>,
      %get3A_656 = arith.constant 37 : i32
      %get3A_657 = arith.index_cast %get3A_656 : i32 to index
      %get3A_658 = arith.constant 0 : index
      %get3A_659 = tpu.vector_load %arg8[%get3A_657, %get3A_658] {strides = array<i32>} : memref<48x32xf32, #tpu.memory_space<vmem>>, vector<16xf32>,
      %mul3A_660 = arith.mulf %gather3A_655, %get3A_659 : vector<16xf32>
      %get3A_661 = arith.constant 37 : i32
      %get3A_662 = arith.index_cast %get3A_661 : i32 to index
      %get3A_663 = arith.constant 16 : index
      %get3A_664 = tpu.vector_load %arg8[%get3A_662, %get3A_663] {strides = array<i32>} : memref<48x32xf32, #tpu.memory_space<vmem>>, vector<16xf32>,
      %mul3A_665 = arith.mulf %gather3A_655, %get3A_664 : vector<16xf32>
      %add3A_666 = arith.addf %add3A_649, %mul3A_660 : vector<16xf32>
      %add3A_667 = arith.addf %add3A_650, %mul3A_665 : vector<16xf32>
      %max3A_668 = arith.maximumf %max3A_651, %mul3A_660 : vector<16xf32>
      %max3A_669 = arith.maximumf %max3A_652, %mul3A_665 : vector<16xf32>
      %broadcast_in_dim3A_670 = arith.constant 38 : i32
      %broadcast_in_dim3A_671 = vector.broadcast %broadcast_in_dim3A_670 : i32 to vector<16xi32>
      %gather3A_672 = tpu.vector_load_idx %arg7[%broadcast_in_dim3A, %broadcast_in_dim3A_671] : memref<320x48xf32, #tpu.memory_space<vmem>>[vector<16xi32>, vector<16xi32>], vector<16xf32>,
      %get3A_673 = arith.constant 38 : i32
      %get3A_674 = arith.index_cast %get3A_673 : i32 to index
      %get3A_675 = arith.constant 0 : index
      %get3A_676 = tpu.vector_load %arg8[%get3A_674, %get3A_675] {strides = array<i32>} : memref<48x32xf32, #tpu.memory_space<vmem>>, vector<16xf32>,
      %mul3A_677 = arith.mulf %gather3A_672, %get3A_676 : vector<16xf32>
      %get3A_678 = arith.constant 38 : i32
      %get3A_679 = arith.index_cast %get3A_678 : i32 to index
      %get3A_680 = arith.constant 16 : index
      %get3A_681 = tpu.vector_load %arg8[%get3A_679, %get3A_680] {strides = array<i32>} : memref<48x32xf32, #tpu.memory_space<vmem>>, vector<16xf32>,
      %mul3A_682 = arith.mulf %gather3A_672, %get3A_681 : vector<16xf32>
      %add3A_683 = arith.addf %add3A_666, %mul3A_677 : vector<16xf32>
      %add3A_684 = arith.addf %add3A_667, %mul3A_682 : vector<16xf32>
      %max3A_685 = arith.maximumf %max3A_668, %mul3A_677 : vector<16xf32>
      %max3A_686 = arith.maximumf %max3A_669, %mul3A_682 : vector<16xf32>
      %broadcast_in_dim3A_687 = arith.constant 39 : i32
      %broadcast_in_dim3A_688 = vector.broadcast %broadcast_in_dim3A_687 : i32 to vector<16xi32>
      %gather3A_689 = tpu.vector_load_idx %arg7[%broadcast_in_dim3A, %broadcast_in_dim3A_688] : memref<320x48xf32, #tpu.memory_space<vmem>>[vector<16xi32>, vector<16xi32>], vector<16xf32>,
      %get3A_690 = arith.constant 39 : i32
      %get3A_691 = arith.index_cast %get3A_690 : i32 to index
      %get3A_692 = arith.constant 0 : index
      %get3A_693 = tpu.vector_load %arg8[%get3A_691, %get3A_692] {strides = array<i32>} : memref<48x32xf32, #tpu.memory_space<vmem>>, vector<16xf32>,
      %mul3A_694 = arith.mulf %gather3A_689, %get3A_693 : vector<16xf32>
      %get3A_695 = arith.constant 39 : i32
      %get3A_696 = arith.index_cast %get3A_695 : i32 to index
      %get3A_697 = arith.constant 16 : index
      %get3A_698 = tpu.vector_load %arg8[%get3A_696, %get3A_697] {strides = array<i32>} : memref<48x32xf32, #tpu.memory_space<vmem>>, vector<16xf32>,
      %mul3A_699 = arith.mulf %gather3A_689, %get3A_698 : vector<16xf32>
      %add3A_700 = arith.addf %add3A_683, %mul3A_694 : vector<16xf32>
      %add3A_701 = arith.addf %add3A_684, %mul3A_699 : vector<16xf32>
      %max3A_702 = arith.maximumf %max3A_685, %mul3A_694 : vector<16xf32>
      %max3A_703 = arith.maximumf %max3A_686, %mul3A_699 : vector<16xf32>
      %mul3A_704 = arith.constant 2.500000e-02 : f32
      %mul3A_705 = vector.broadcast %mul3A_704 : f32 to vector<16xf32>
      %mul3A_706 = arith.mulf %add3A_700, %mul3A_705 : vector<16xf32>
      %swap3A = arith.index_cast %scan3A_8 : i32 to index
      %swap3A_707 = arith.constant 0 : index
      %swap3A_708 = tpu.vector_load %arg9[%swap3A, %swap3A_707] {strides = array<i32>} : memref<320x64xf32, #tpu.memory_space<vmem>>, vector<16xf32>,
      tpu.vector_store %arg9[%swap3A, %swap3A_707], %mul3A_706 {strides = array<i32>} : memref<320x64xf32, #tpu.memory_space<vmem>>, vector<16xf32>,
      %mul3A_709 = arith.constant 2.500000e-02 : f32
      %mul3A_710 = vector.broadcast %mul3A_709 : f32 to vector<16xf32>
      %mul3A_711 = arith.mulf %add3A_701, %mul3A_710 : vector<16xf32>
      %swap3A_712 = arith.index_cast %scan3A_8 : i32 to index
      %swap3A_713 = arith.constant 16 : index
      %swap3A_714 = tpu.vector_load %arg9[%swap3A_712, %swap3A_713] {strides = array<i32>} : memref<320x64xf32, #tpu.memory_space<vmem>>, vector<16xf32>,
      tpu.vector_store %arg9[%swap3A_712, %swap3A_713], %mul3A_711 {strides = array<i32>} : memref<320x64xf32, #tpu.memory_space<vmem>>, vector<16xf32>,
      %swap3A_715 = arith.index_cast %scan3A_8 : i32 to index
      %swap3A_716 = arith.constant 32 : index
      %swap3A_717 = tpu.vector_load %arg9[%swap3A_715, %swap3A_716] {strides = array<i32>} : memref<320x64xf32, #tpu.memory_space<vmem>>, vector<16xf32>,
      tpu.vector_store %arg9[%swap3A_715, %swap3A_716], %max3A_702 {strides = array<i32>} : memref<320x64xf32, #tpu.memory_space<vmem>>, vector<16xf32>,
      %swap3A_718 = arith.index_cast %scan3A_8 : i32 to index
      %swap3A_719 = arith.constant 48 : index
      %swap3A_720 = tpu.vector_load %arg9[%swap3A_718, %swap3A_719] {strides = array<i32>} : memref<320x64xf32, #tpu.memory_space<vmem>>, vector<16xf32>,
      tpu.vector_store %arg9[%swap3A_718, %swap3A_719], %max3A_703 {strides = array<i32>} : memref<320x64xf32, #tpu.memory_space<vmem>>, vector<16xf32>,
    }
    %scan3A_7 = arith.constant 320 : i32
    "tpu.region"() ({
      %run_scoped3A = tpu.sem_alloc : memref<!tpu.dma_semaphore, #tpu.memory_space<semaphore_mem>>
      %dma_start3A = arith.constant 0 : i32
      %dma_start3A_8 = tpu.memref_slice %arg5[%mul3A_2, %dma_start3A] : memref<10240x64xf32, #tpu.memory_space<hbm>> -> memref<320x64xf32, #tpu.memory_space<hbm>>
      %dma_start3A_9 = arith.constant 0 : i32
      %dma_start3A_10 = tpu.memref_slice %arg5[%mul3A_2, %dma_start3A_9] : memref<10240x64xf32, #tpu.memory_space<hbm>> -> memref<320x64xf32, #tpu.memory_space<hbm>>
      tpu.enqueue_dma source(%arg9 : memref<320x64xf32, #tpu.memory_space<vmem>>) target(%dma_start3A_10 : memref<320x64xf32, #tpu.memory_space<hbm>>) target_semaphore(%run_scoped3A : memref<!tpu.dma_semaphore, #tpu.memory_space<semaphore_mem>>)
      %dma_wait3A = arith.constant 0 : i32
      %dma_wait3A_11 = tpu.memref_slice %arg5[%mul3A_2, %dma_wait3A] : memref<10240x64xf32, #tpu.memory_space<hbm>> -> memref<320x64xf32, #tpu.memory_space<hbm>>
      %dma_wait3A_12 = arith.constant 0 : i32
      %dma_wait3A_13 = tpu.memref_slice %arg5[%mul3A_2, %dma_wait3A_12] : memref<10240x64xf32, #tpu.memory_space<hbm>> -> memref<320x64xf32, #tpu.memory_space<hbm>>
      tpu.wait_dma2 semaphore(%run_scoped3A : memref<!tpu.dma_semaphore, #tpu.memory_space<semaphore_mem>>) src(%arg9 : memref<320x64xf32, #tpu.memory_space<vmem>>) dst(%dma_wait3A_13 : memref<320x64xf32, #tpu.memory_space<hbm>>)
      tpu.yield
    }) : () -> ()
    return
  }
}

module attributes {stable_mosaic.version = 14 : i64} {
  func.func @_k1_body(%arg0: memref<10000x256xf32, #tpu.memory_space<vmem>>, %arg1: memref<256x32xf32, #tpu.memory_space<vmem>>, %arg2: memref<1x32xf32, #tpu.memory_space<vmem>>, %arg3: memref<32x32xf32, #tpu.memory_space<vmem>>, %arg4: memref<1x32xf32, #tpu.memory_space<vmem>>, %arg5: memref<1x32xf32, #tpu.memory_space<vmem>>, %arg6: memref<1x32xf32, #tpu.memory_space<vmem>>, %arg7: memref<32x32xf32, #tpu.memory_space<vmem>>, %arg8: memref<1x32xf32, #tpu.memory_space<vmem>>, %arg9: memref<32x3xf32, #tpu.memory_space<vmem>>, %arg10: memref<10000x32xf32, #tpu.memory_space<vmem>>, %arg11: memref<10000x32xf32, #tpu.memory_space<vmem>>, %arg12: memref<10000x8xf32, #tpu.memory_space<vmem>>) attributes {dimension_semantics = [], scalar_prefetch = 0 : i64, scratch_operands = 0 : i64, tpu.core_type = #tpu.core_type<tc>} {
    %get3A = arith.constant 0 : index
    %get3A_0 = arith.constant 0 : index
    %get3A_1 = vector.load %arg0[%get3A, %get3A_0] : memref<10000x256xf32, #tpu.memory_space<vmem>>, vector<10000x256xf32>
    %get3A_2 = arith.constant 0 : index
    %get3A_3 = arith.constant 0 : index
    %get3A_4 = vector.load %arg1[%get3A_2, %get3A_3] : memref<256x32xf32, #tpu.memory_space<vmem>>, vector<256x32xf32>
    %dot_general3A = arith.constant dense<0.000000e+00> : vector<10000x32xf32>
    %dot_general3A_5 = tpu.matmul %get3A_1, %get3A_4, %dot_general3A {dimension_numbers = #tpu.dot_dimension_numbers<[1], [0], [0], [1], [0, 0, 1, 1], [], []>, transpose_lhs_hint = false} : vector<10000x256xf32>, vector<256x32xf32>, vector<10000x32xf32> -> vector<10000x32xf32>
    %get3A_6 = arith.constant 0 : index
    %get3A_7 = arith.constant 0 : index
    %get3A_8 = vector.load %arg2[%get3A_6, %get3A_7] : memref<1x32xf32, #tpu.memory_space<vmem>>, vector<1x32xf32>
    %add3A = vector.broadcast %get3A_8 : vector<1x32xf32> to vector<10000x32xf32>
    %add3A_9 = arith.addf %dot_general3A_5, %add3A : vector<10000x32xf32>
    %gt3A = arith.constant 0.000000e+00 : f32
    %gt3A_10 = vector.broadcast %gt3A : f32 to vector<10000x32xf32>
    %gt3A_11 = arith.cmpf ogt, %add3A_9, %gt3A_10 : vector<10000x32xf32>
    %min3A = arith.constant 0.000000e+00 : f32
    %min3A_12 = vector.broadcast %min3A : f32 to vector<10000x32xf32>
    %min3A_13 = arith.minimumf %add3A_9, %min3A_12 : vector<10000x32xf32>
    %exp3A = math.exp %min3A_13 : vector<10000x32xf32>
    %sub3A = arith.constant 1.000000e+00 : f32
    %sub3A_14 = vector.broadcast %sub3A : f32 to vector<10000x32xf32>
    %sub3A_15 = arith.subf %exp3A, %sub3A_14 : vector<10000x32xf32>
    %select_n3A = arith.select %gt3A_11, %add3A_9, %sub3A_15 : vector<10000x32xi1>, vector<10000x32xf32>
    %get3A_16 = arith.constant 0 : index
    %get3A_17 = arith.constant 0 : index
    %get3A_18 = vector.load %arg3[%get3A_16, %get3A_17] : memref<32x32xf32, #tpu.memory_space<vmem>>, vector<32x32xf32>
    %dot_general3A_19 = arith.constant dense<0.000000e+00> : vector<10000x32xf32>
    %dot_general3A_20 = tpu.matmul %select_n3A, %get3A_18, %dot_general3A_19 {dimension_numbers = #tpu.dot_dimension_numbers<[1], [0], [0], [1], [0, 0, 1, 1], [], []>, transpose_lhs_hint = false} : vector<10000x32xf32>, vector<32x32xf32>, vector<10000x32xf32> -> vector<10000x32xf32>
    %get3A_21 = arith.constant 0 : index
    %get3A_22 = arith.constant 0 : index
    %get3A_23 = vector.load %arg4[%get3A_21, %get3A_22] : memref<1x32xf32, #tpu.memory_space<vmem>>, vector<1x32xf32>
    %add3A_24 = vector.broadcast %get3A_23 : vector<1x32xf32> to vector<10000x32xf32>
    %add3A_25 = arith.addf %dot_general3A_20, %add3A_24 : vector<10000x32xf32>
    %gt3A_26 = arith.constant 0.000000e+00 : f32
    %gt3A_27 = vector.broadcast %gt3A_26 : f32 to vector<10000x32xf32>
    %gt3A_28 = arith.cmpf ogt, %add3A_25, %gt3A_27 : vector<10000x32xf32>
    %min3A_29 = arith.constant 0.000000e+00 : f32
    %min3A_30 = vector.broadcast %min3A_29 : f32 to vector<10000x32xf32>
    %min3A_31 = arith.minimumf %add3A_25, %min3A_30 : vector<10000x32xf32>
    %exp3A_32 = math.exp %min3A_31 : vector<10000x32xf32>
    %sub3A_33 = arith.constant 1.000000e+00 : f32
    %sub3A_34 = vector.broadcast %sub3A_33 : f32 to vector<10000x32xf32>
    %sub3A_35 = arith.subf %exp3A_32, %sub3A_34 : vector<10000x32xf32>
    %select_n3A_36 = arith.select %gt3A_28, %add3A_25, %sub3A_35 : vector<10000x32xi1>, vector<10000x32xf32>
    %get3A_37 = arith.constant 0 : index
    %get3A_38 = arith.constant 0 : index
    %get3A_39 = vector.load %arg5[%get3A_37, %get3A_38] : memref<1x32xf32, #tpu.memory_space<vmem>>, vector<1x32xf32>
    %get3A_40 = arith.constant 0 : index
    %get3A_41 = arith.constant 0 : index
    %get3A_42 = vector.load %arg6[%get3A_40, %get3A_41] : memref<1x32xf32, #tpu.memory_space<vmem>>, vector<1x32xf32>
    %reduce_sum3A = arith.constant dense<0.000000e+00> : vector<32xf32>
    %reduce_sum3A_43 = vector.multi_reduction <add>, %select_n3A_36, %reduce_sum3A [0] : vector<10000x32xf32> to vector<32xf32>
    %broadcast_in_dim3A = vector.shape_cast %reduce_sum3A_43 : vector<32xf32> to vector<1x32xf32>
    %div3A = arith.constant 1.000000e+04 : f32
    %div3A_44 = vector.broadcast %div3A : f32 to vector<1x32xf32>
    %div3A_45 = arith.divf %broadcast_in_dim3A, %div3A_44 : vector<1x32xf32>
    %sub3A_46 = vector.broadcast %div3A_45 : vector<1x32xf32> to vector<10000x32xf32>
    %sub3A_47 = arith.subf %select_n3A_36, %sub3A_46 : vector<10000x32xf32>
    %integer_pow3A = arith.mulf %sub3A_47, %sub3A_47 : vector<10000x32xf32>
    %reduce_sum3A_48 = arith.constant dense<0.000000e+00> : vector<32xf32>
    %reduce_sum3A_49 = vector.multi_reduction <add>, %integer_pow3A, %reduce_sum3A_48 [0] : vector<10000x32xf32> to vector<32xf32>
    %broadcast_in_dim3A_50 = vector.shape_cast %reduce_sum3A_49 : vector<32xf32> to vector<1x32xf32>
    %div3A_51 = arith.constant 1.000000e+04 : f32
    %div3A_52 = vector.broadcast %div3A_51 : f32 to vector<1x32xf32>
    %div3A_53 = arith.divf %broadcast_in_dim3A_50, %div3A_52 : vector<1x32xf32>
    %sub3A_54 = vector.broadcast %div3A_45 : vector<1x32xf32> to vector<10000x32xf32>
    %sub3A_55 = arith.subf %select_n3A_36, %sub3A_54 : vector<10000x32xf32>
    %mul3A = vector.broadcast %get3A_39 : vector<1x32xf32> to vector<10000x32xf32>
    %mul3A_56 = arith.mulf %mul3A, %sub3A_55 : vector<10000x32xf32>
    %add3A_57 = arith.constant 9.99999974E-6 : f32
    %add3A_58 = vector.broadcast %add3A_57 : f32 to vector<1x32xf32>
    %add3A_59 = arith.addf %div3A_53, %add3A_58 : vector<1x32xf32>
    %sqrt3A = math.sqrt %add3A_59 : vector<1x32xf32>
    %div3A_60 = vector.broadcast %sqrt3A : vector<1x32xf32> to vector<10000x32xf32>
    %div3A_61 = arith.divf %mul3A_56, %div3A_60 : vector<10000x32xf32>
    %add3A_62 = vector.broadcast %get3A_42 : vector<1x32xf32> to vector<10000x32xf32>
    %add3A_63 = arith.addf %div3A_61, %add3A_62 : vector<10000x32xf32>
    %swap3A = arith.constant 0 : index
    %swap3A_64 = arith.constant 0 : index
    %swap3A_65 = vector.load %arg10[%swap3A, %swap3A_64] : memref<10000x32xf32, #tpu.memory_space<vmem>>, vector<10000x32xf32>
    tpu.vector_store %arg10[%swap3A, %swap3A_64], %add3A_63 {strides = array<i32>} : memref<10000x32xf32, #tpu.memory_space<vmem>>, vector<10000x32xf32>,
    %get3A_66 = arith.constant 0 : index
    %get3A_67 = arith.constant 0 : index
    %get3A_68 = vector.load %arg7[%get3A_66, %get3A_67] : memref<32x32xf32, #tpu.memory_space<vmem>>, vector<32x32xf32>
    %dot_general3A_69 = arith.constant dense<0.000000e+00> : vector<10000x32xf32>
    %dot_general3A_70 = tpu.matmul %add3A_63, %get3A_68, %dot_general3A_69 {dimension_numbers = #tpu.dot_dimension_numbers<[1], [0], [0], [1], [0, 0, 1, 1], [], []>, transpose_lhs_hint = false} : vector<10000x32xf32>, vector<32x32xf32>, vector<10000x32xf32> -> vector<10000x32xf32>
    %get3A_71 = arith.constant 0 : index
    %get3A_72 = arith.constant 0 : index
    %get3A_73 = vector.load %arg8[%get3A_71, %get3A_72] : memref<1x32xf32, #tpu.memory_space<vmem>>, vector<1x32xf32>
    %add3A_74 = vector.broadcast %get3A_73 : vector<1x32xf32> to vector<10000x32xf32>
    %add3A_75 = arith.addf %dot_general3A_70, %add3A_74 : vector<10000x32xf32>
    %swap3A_76 = arith.constant 0 : index
    %swap3A_77 = arith.constant 0 : index
    %swap3A_78 = vector.load %arg11[%swap3A_76, %swap3A_77] : memref<10000x32xf32, #tpu.memory_space<vmem>>, vector<10000x32xf32>
    tpu.vector_store %arg11[%swap3A_76, %swap3A_77], %add3A_75 {strides = array<i32>} : memref<10000x32xf32, #tpu.memory_space<vmem>>, vector<10000x32xf32>,
    %get3A_79 = arith.constant 0 : index
    %get3A_80 = arith.constant 0 : index
    %get3A_81 = vector.load %arg9[%get3A_79, %get3A_80] : memref<32x3xf32, #tpu.memory_space<vmem>>, vector<32x3xf32>
    %dot_general3A_82 = arith.constant dense<0.000000e+00> : vector<10000x3xf32>
    %dot_general3A_83 = tpu.matmul %add3A_63, %get3A_81, %dot_general3A_82 {dimension_numbers = #tpu.dot_dimension_numbers<[1], [0], [0], [1], [0, 0, 1, 1], [], []>, transpose_lhs_hint = false} : vector<10000x32xf32>, vector<32x3xf32>, vector<10000x3xf32> -> vector<10000x3xf32>
    %mul3A_84 = arith.mulf %dot_general3A_83, %dot_general3A_83 : vector<10000x3xf32>
    %reduce_sum3A_85 = arith.constant dense<0.000000e+00> : vector<10000xf32>
    %reduce_sum3A_86 = vector.multi_reduction <add>, %mul3A_84, %reduce_sum3A_85 [1] : vector<10000x3xf32> to vector<10000xf32>
    %broadcast_in_dim3A_87 = vector.shape_cast %reduce_sum3A_86 : vector<10000xf32> to vector<10000x1xf32>
    %broadcast_in_dim3A_88 = arith.constant 0.000000e+00 : f32
    %broadcast_in_dim3A_89 = vector.broadcast %broadcast_in_dim3A_88 : f32 to vector<10000x4xf32>
    %concatenate3A = tpu.concatenate %dot_general3A_83, %broadcast_in_dim3A_87, %broadcast_in_dim3A_89 in 1 : vector<10000x3xf32>, vector<10000x1xf32>, vector<10000x4xf32> -> vector<10000x8xf32>
    %swap3A_90 = arith.constant 0 : index
    %swap3A_91 = arith.constant 0 : index
    %swap3A_92 = vector.load %arg12[%swap3A_90, %swap3A_91] : memref<10000x8xf32, #tpu.memory_space<vmem>>, vector<10000x8xf32>
    tpu.vector_store %arg12[%swap3A_90, %swap3A_91], %concatenate3A {strides = array<i32>} : memref<10000x8xf32, #tpu.memory_space<vmem>>, vector<10000x8xf32>,
    return
  }
}

module attributes {stable_mosaic.version = 14 : i64} {
  func.func @_k2_body(%arg0: i32, %arg1: memref<256x8xf32, #tpu.memory_space<vmem>>, %arg2: memref<8x10240xf32, #tpu.memory_space<vmem>>, %arg3: memref<256x40xi32, #tpu.memory_space<vmem>>, %arg4: memref<256x10240xf32, #tpu.memory_space<vmem>>) attributes {dimension_semantics = [#tpu.dimension_semantics<arbitrary>], iteration_bounds = array<i64: 40>, scalar_prefetch = 0 : i64, scratch_operands = 1 : i64, tpu.core_type = #tpu.core_type<tc>, window_params = [{transform_indices = @transform_0, window_bounds = array<i64: 256, 8>}, {pipeline_mode = #tpu.pipeline_mode<synchronous>, transform_indices = @transform_1, window_bounds = array<i64: 8, 10240>}, {transform_indices = @transform_2, window_bounds = array<i64: 256, 40>}]} {
    %get3A = arith.constant 0 : index
    %get3A_0 = arith.constant 3 : index
    %get3A_1 = vector.load %arg1[%get3A, %get3A_0] : memref<256x8xf32, #tpu.memory_space<vmem>>, vector<256x1xf32>
    %get3A_2 = arith.constant 3 : index
    %get3A_3 = arith.constant 0 : index
    %get3A_4 = vector.load %arg2[%get3A_2, %get3A_3] : memref<8x10240xf32, #tpu.memory_space<vmem>>, vector<1x10240xf32>
    %get3A_5 = arith.constant 0 : index
    %get3A_6 = arith.constant 0 : index
    %get3A_7 = vector.load %arg1[%get3A_5, %get3A_6] : memref<256x8xf32, #tpu.memory_space<vmem>>, vector<256x3xf32>
    %get3A_8 = arith.constant 0 : index
    %get3A_9 = arith.constant 0 : index
    %get3A_10 = vector.load %arg2[%get3A_8, %get3A_9] : memref<8x10240xf32, #tpu.memory_space<vmem>>, vector<3x10240xf32>
    %dot_general3A = arith.constant dense<0.000000e+00> : vector<256x10240xf32>
    %dot_general3A_11 = tpu.matmul %get3A_7, %get3A_10, %dot_general3A {dimension_numbers = #tpu.dot_dimension_numbers<[1], [0], [0], [1], [0, 0, 1, 1], [], []>, transpose_lhs_hint = false} : vector<256x3xf32>, vector<3x10240xf32>, vector<256x10240xf32> -> vector<256x10240xf32>
    %add3A = vector.broadcast %get3A_1 : vector<256x1xf32> to vector<256x10240xf32>
    %add3A_12 = vector.broadcast %get3A_4 : vector<1x10240xf32> to vector<256x10240xf32>
    %add3A_13 = arith.addf %add3A, %add3A_12 : vector<256x10240xf32>
    %mul3A = arith.constant 2.000000e+00 : f32
    %mul3A_14 = vector.broadcast %mul3A : f32 to vector<256x10240xf32>
    %mul3A_15 = arith.mulf %mul3A_14, %dot_general3A_11 : vector<256x10240xf32>
    %sub3A = arith.subf %add3A_13, %mul3A_15 : vector<256x10240xf32>
    %iota3A = tpu.iota {dimensions = array<i32: 1>} : vector<256x10240xi32>
    %mul3A_16 = arith.constant 256 : i32
    %mul3A_17 = arith.muli %arg0, %mul3A_16 : i32
    %iota3A_18 = tpu.iota {dimensions = array<i32: 0>} : vector<256x10240xi32>
    %add3A_19 = vector.broadcast %mul3A_17 : i32 to vector<256x10240xi32>
    %add3A_20 = arith.addi %add3A_19, %iota3A_18 : vector<256x10240xi32>
    %ge3A = arith.constant 10000 : i32
    %ge3A_21 = vector.broadcast %ge3A : i32 to vector<256x10240xi32>
    %ge3A_22 = arith.cmpi sge, %iota3A, %ge3A_21 : vector<256x10240xi32>
    %eq3A = arith.cmpi eq, %iota3A, %add3A_20 : vector<256x10240xi32>
    %or3A = arith.ori %ge3A_22, %eq3A : vector<256x10240xi1>
    %jit3A = arith.constant 0x7F800000 : f32
    %broadcast_in_dim3A = vector.broadcast %jit3A : f32 to vector<256x10240xf32>
    %select_n3A = arith.select %or3A, %broadcast_in_dim3A, %sub3A : vector<256x10240xi1>, vector<256x10240xf32>
    %swap3A = arith.constant 0 : index
    %swap3A_23 = arith.constant 0 : index
    %swap3A_24 = vector.load %arg4[%swap3A, %swap3A_23] : memref<256x10240xf32, #tpu.memory_space<vmem>>, vector<256x10240xf32>
    tpu.vector_store %arg4[%swap3A, %swap3A_23], %select_n3A {strides = array<i32>} : memref<256x10240xf32, #tpu.memory_space<vmem>>, vector<256x10240xf32>,
    %iota3A_25 = tpu.iota {dimensions = array<i32: 1>} : vector<256x40xi32>
    %broadcast_in_dim3A_26 = arith.constant 0 : i32
    %broadcast_in_dim3A_27 = vector.broadcast %broadcast_in_dim3A_26 : i32 to vector<256x40xi32>
    %scan3A = arith.constant 0 : i32
    %scan3A_28 = arith.constant 40 : i32
    %scan3A_29 = arith.addi %scan3A, %scan3A_28 : i32
    %scan3A_30 = arith.constant 1 : i32
    %scan3A_31 = scf.for %scan3A_36 = %scan3A to %scan3A_29 step %scan3A_30 iter_args(%scan3A_37 = %broadcast_in_dim3A_27) -> (vector<256x40xi32>)  : i32 {
      %get3A_38 = arith.constant 0 : index
      %get3A_39 = arith.constant 0 : index
      %get3A_40 = vector.load %arg4[%get3A_38, %get3A_39] : memref<256x10240xf32, #tpu.memory_space<vmem>>, vector<256x10240xf32>
      %reduce_min3A = arith.constant dense<0x7F800000> : vector<256xf32>
      %reduce_min3A_41 = vector.multi_reduction <minimumf>, %get3A_40, %reduce_min3A [1] : vector<256x10240xf32> to vector<256xf32>
      %broadcast_in_dim3A_42 = vector.shape_cast %reduce_min3A_41 : vector<256xf32> to vector<256x1xf32>
      %le3A = vector.broadcast %broadcast_in_dim3A_42 : vector<256x1xf32> to vector<256x10240xf32>
      %le3A_43 = arith.cmpf ole, %get3A_40, %le3A : vector<256x10240xf32>
      %iota3A_44 = tpu.iota {dimensions = array<i32: 1>} : vector<256x10240xi32>
      %jit3A_45 = arith.constant 1073741824 : i32
      %broadcast_in_dim3A_46 = vector.broadcast %jit3A_45 : i32 to vector<256x10240xi32>
      %select_n3A_47 = arith.select %le3A_43, %iota3A_44, %broadcast_in_dim3A_46 : vector<256x10240xi1>, vector<256x10240xi32>
      %reduce_min3A_48 = arith.constant dense<2147483647> : vector<256xi32>
      %reduce_min3A_49 = vector.multi_reduction <minsi>, %select_n3A_47, %reduce_min3A_48 [1] : vector<256x10240xi32> to vector<256xi32>
      %broadcast_in_dim3A_50 = vector.shape_cast %reduce_min3A_49 : vector<256xi32> to vector<256x1xi32>
      %jit3A_51 = arith.constant 0x7F800000 : f32
      %broadcast_in_dim3A_52 = vector.broadcast %jit3A_51 : f32 to vector<256x10240xf32>
      %select_n3A_53 = arith.select %le3A_43, %broadcast_in_dim3A_52, %get3A_40 : vector<256x10240xi1>, vector<256x10240xf32>
      %swap3A_54 = arith.constant 0 : index
      %swap3A_55 = arith.constant 0 : index
      %swap3A_56 = vector.load %arg4[%swap3A_54, %swap3A_55] : memref<256x10240xf32, #tpu.memory_space<vmem>>, vector<256x10240xf32>
      tpu.vector_store %arg4[%swap3A_54, %swap3A_55], %select_n3A_53 {strides = array<i32>} : memref<256x10240xf32, #tpu.memory_space<vmem>>, vector<256x10240xf32>,
      %eq3A_57 = vector.broadcast %scan3A_36 : i32 to vector<256x40xi32>
      %eq3A_58 = arith.cmpi eq, %iota3A_25, %eq3A_57 : vector<256x40xi32>
      %broadcast_in_dim3A_59 = vector.shape_cast %broadcast_in_dim3A_50 : vector<256x1xi32> to vector<256x1xi32>
      %broadcast_in_dim3A_60 = vector.broadcast %broadcast_in_dim3A_59 : vector<256x1xi32> to vector<256x40xi32>
      %select_n3A_61 = arith.select %eq3A_58, %broadcast_in_dim3A_60, %scan3A_37 : vector<256x40xi1>, vector<256x40xi32>
      scf.yield %select_n3A_61 : vector<256x40xi32>
    }
    %scan3A_32 = arith.constant 40 : i32
    %swap3A_33 = arith.constant 0 : index
    %swap3A_34 = arith.constant 0 : index
    %swap3A_35 = vector.load %arg3[%swap3A_33, %swap3A_34] : memref<256x40xi32, #tpu.memory_space<vmem>>, vector<256x40xi32>
    tpu.vector_store %arg3[%swap3A_33, %swap3A_34], %scan3A_31 {strides = array<i32>} : memref<256x40xi32, #tpu.memory_space<vmem>>, vector<256x40xi32>,
    return
  }
  func.func @transform_0(%arg0: i32) -> (i32, i32) {
    %c0_i32 = arith.constant 0 : i32
    %c0_i32_0 = arith.constant 0 : i32
    return %arg0, %c0_i32 : i32, i32
  }
  func.func @transform_1(%arg0: i32) -> (i32, i32) {
    %c0_i32 = arith.constant 0 : i32
    %c0_i32_0 = arith.constant 0 : i32
    %c0_i32_1 = arith.constant 0 : i32
    return %c0_i32, %c0_i32_0 : i32, i32
  }
  func.func @transform_2(%arg0: i32) -> (i32, i32) {
    %c0_i32 = arith.constant 0 : i32
    %c0_i32_0 = arith.constant 0 : i32
    return %arg0, %c0_i32 : i32, i32
  }
}

module attributes {stable_mosaic.version = 14 : i64} {
  func.func @_k4_body(%arg0: memref<10000x64xf32, #tpu.memory_space<vmem>>, %arg1: memref<10000x32xf32, #tpu.memory_space<vmem>>, %arg2: memref<10000x8xf32, #tpu.memory_space<vmem>>, %arg3: memref<64x32xf32, #tpu.memory_space<vmem>>, %arg4: memref<32x32xf32, #tpu.memory_space<vmem>>, %arg5: memref<1x32xf32, #tpu.memory_space<vmem>>, %arg6: memref<32x32xf32, #tpu.memory_space<vmem>>, %arg7: memref<3x32xf32, #tpu.memory_space<vmem>>, %arg8: memref<32x32xf32, #tpu.memory_space<vmem>>, %arg9: memref<1x32xf32, #tpu.memory_space<vmem>>, %arg10: memref<32x32xf32, #tpu.memory_space<vmem>>, %arg11: memref<1x32xf32, #tpu.memory_space<vmem>>, %arg12: memref<1x32xf32, #tpu.memory_space<vmem>>, %arg13: memref<1x32xf32, #tpu.memory_space<vmem>>, %arg14: memref<10000x32xf32, #tpu.memory_space<vmem>>) attributes {dimension_semantics = [], scalar_prefetch = 0 : i64, scratch_operands = 0 : i64, tpu.core_type = #tpu.core_type<tc>} {
    %get3A = arith.constant 0 : index
    %get3A_0 = arith.constant 0 : index
    %get3A_1 = vector.load %arg1[%get3A, %get3A_0] : memref<10000x32xf32, #tpu.memory_space<vmem>>, vector<10000x32xf32>
    %get3A_2 = arith.constant 0 : index
    %get3A_3 = arith.constant 0 : index
    %get3A_4 = vector.load %arg0[%get3A_2, %get3A_3] : memref<10000x64xf32, #tpu.memory_space<vmem>>, vector<10000x64xf32>
    %get3A_5 = arith.constant 0 : index
    %get3A_6 = arith.constant 0 : index
    %get3A_7 = vector.load %arg3[%get3A_5, %get3A_6] : memref<64x32xf32, #tpu.memory_space<vmem>>, vector<64x32xf32>
    %dot_general3A = arith.constant dense<0.000000e+00> : vector<10000x32xf32>
    %dot_general3A_8 = tpu.matmul %get3A_4, %get3A_7, %dot_general3A {dimension_numbers = #tpu.dot_dimension_numbers<[1], [0], [0], [1], [0, 0, 1, 1], [], []>, transpose_lhs_hint = false} : vector<10000x64xf32>, vector<64x32xf32>, vector<10000x32xf32> -> vector<10000x32xf32>
    %get3A_9 = arith.constant 0 : index
    %get3A_10 = arith.constant 0 : index
    %get3A_11 = vector.load %arg4[%get3A_9, %get3A_10] : memref<32x32xf32, #tpu.memory_space<vmem>>, vector<32x32xf32>
    %dot_general3A_12 = arith.constant dense<0.000000e+00> : vector<10000x32xf32>
    %dot_general3A_13 = tpu.matmul %get3A_1, %get3A_11, %dot_general3A_12 {dimension_numbers = #tpu.dot_dimension_numbers<[1], [0], [0], [1], [0, 0, 1, 1], [], []>, transpose_lhs_hint = false} : vector<10000x32xf32>, vector<32x32xf32>, vector<10000x32xf32> -> vector<10000x32xf32>
    %add3A = arith.addf %dot_general3A_8, %dot_general3A_13 : vector<10000x32xf32>
    %get3A_14 = arith.constant 0 : index
    %get3A_15 = arith.constant 0 : index
    %get3A_16 = vector.load %arg5[%get3A_14, %get3A_15] : memref<1x32xf32, #tpu.memory_space<vmem>>, vector<1x32xf32>
    %add3A_17 = vector.broadcast %get3A_16 : vector<1x32xf32> to vector<10000x32xf32>
    %add3A_18 = arith.addf %add3A, %add3A_17 : vector<10000x32xf32>
    %get3A_19 = arith.constant 0 : index
    %get3A_20 = arith.constant 0 : index
    %get3A_21 = vector.load %arg2[%get3A_19, %get3A_20] : memref<10000x8xf32, #tpu.memory_space<vmem>>, vector<10000x1xf32>
    %get3A_22 = arith.constant 0 : index
    %get3A_23 = arith.constant 0 : index
    %get3A_24 = vector.load %arg7[%get3A_22, %get3A_23] : memref<3x32xf32, #tpu.memory_space<vmem>>, vector<1x32xf32>
    %mul3A = vector.broadcast %get3A_21 : vector<10000x1xf32> to vector<10000x32xf32>
    %mul3A_25 = vector.broadcast %get3A_24 : vector<1x32xf32> to vector<10000x32xf32>
    %mul3A_26 = arith.mulf %mul3A, %mul3A_25 : vector<10000x32xf32>
    %get3A_27 = arith.constant 0 : index
    %get3A_28 = arith.constant 1 : index
    %get3A_29 = vector.load %arg2[%get3A_27, %get3A_28] : memref<10000x8xf32, #tpu.memory_space<vmem>>, vector<10000x1xf32>
    %get3A_30 = arith.constant 1 : index
    %get3A_31 = arith.constant 0 : index
    %get3A_32 = vector.load %arg7[%get3A_30, %get3A_31] : memref<3x32xf32, #tpu.memory_space<vmem>>, vector<1x32xf32>
    %mul3A_33 = vector.broadcast %get3A_29 : vector<10000x1xf32> to vector<10000x32xf32>
    %mul3A_34 = vector.broadcast %get3A_32 : vector<1x32xf32> to vector<10000x32xf32>
    %mul3A_35 = arith.mulf %mul3A_33, %mul3A_34 : vector<10000x32xf32>
    %add3A_36 = arith.addf %mul3A_26, %mul3A_35 : vector<10000x32xf32>
    %get3A_37 = arith.constant 0 : index
    %get3A_38 = arith.constant 2 : index
    %get3A_39 = vector.load %arg2[%get3A_37, %get3A_38] : memref<10000x8xf32, #tpu.memory_space<vmem>>, vector<10000x1xf32>
    %get3A_40 = arith.constant 2 : index
    %get3A_41 = arith.constant 0 : index
    %get3A_42 = vector.load %arg7[%get3A_40, %get3A_41] : memref<3x32xf32, #tpu.memory_space<vmem>>, vector<1x32xf32>
    %mul3A_43 = vector.broadcast %get3A_39 : vector<10000x1xf32> to vector<10000x32xf32>
    %mul3A_44 = vector.broadcast %get3A_42 : vector<1x32xf32> to vector<10000x32xf32>
    %mul3A_45 = arith.mulf %mul3A_43, %mul3A_44 : vector<10000x32xf32>
    %add3A_46 = arith.addf %add3A_36, %mul3A_45 : vector<10000x32xf32>
    %get3A_47 = arith.constant 0 : index
    %get3A_48 = arith.constant 0 : index
    %get3A_49 = vector.load %arg6[%get3A_47, %get3A_48] : memref<32x32xf32, #tpu.memory_space<vmem>>, vector<32x32xf32>
    %dot_general3A_50 = arith.constant dense<0.000000e+00> : vector<10000x32xf32>
    %dot_general3A_51 = tpu.matmul %add3A_18, %get3A_49, %dot_general3A_50 {dimension_numbers = #tpu.dot_dimension_numbers<[1], [0], [0], [1], [0, 0, 1, 1], [], []>, transpose_lhs_hint = false} : vector<10000x32xf32>, vector<32x32xf32>, vector<10000x32xf32> -> vector<10000x32xf32>
    %add3A_52 = arith.addf %dot_general3A_51, %add3A_46 : vector<10000x32xf32>
    %get3A_53 = arith.constant 0 : index
    %get3A_54 = arith.constant 0 : index
    %get3A_55 = vector.load %arg8[%get3A_53, %get3A_54] : memref<32x32xf32, #tpu.memory_space<vmem>>, vector<32x32xf32>
    %dot_general3A_56 = arith.constant dense<0.000000e+00> : vector<10000x32xf32>
    %dot_general3A_57 = tpu.matmul %get3A_1, %get3A_55, %dot_general3A_56 {dimension_numbers = #tpu.dot_dimension_numbers<[1], [0], [0], [1], [0, 0, 1, 1], [], []>, transpose_lhs_hint = false} : vector<10000x32xf32>, vector<32x32xf32>, vector<10000x32xf32> -> vector<10000x32xf32>
    %add3A_58 = arith.addf %add3A_52, %dot_general3A_57 : vector<10000x32xf32>
    %get3A_59 = arith.constant 0 : index
    %get3A_60 = arith.constant 0 : index
    %get3A_61 = vector.load %arg9[%get3A_59, %get3A_60] : memref<1x32xf32, #tpu.memory_space<vmem>>, vector<1x32xf32>
    %add3A_62 = vector.broadcast %get3A_61 : vector<1x32xf32> to vector<10000x32xf32>
    %add3A_63 = arith.addf %add3A_58, %add3A_62 : vector<10000x32xf32>
    %gt3A = arith.constant 0.000000e+00 : f32
    %gt3A_64 = vector.broadcast %gt3A : f32 to vector<10000x32xf32>
    %gt3A_65 = arith.cmpf ogt, %add3A_63, %gt3A_64 : vector<10000x32xf32>
    %min3A = arith.constant 0.000000e+00 : f32
    %min3A_66 = vector.broadcast %min3A : f32 to vector<10000x32xf32>
    %min3A_67 = arith.minimumf %add3A_63, %min3A_66 : vector<10000x32xf32>
    %exp3A = math.exp %min3A_67 : vector<10000x32xf32>
    %sub3A = arith.constant 1.000000e+00 : f32
    %sub3A_68 = vector.broadcast %sub3A : f32 to vector<10000x32xf32>
    %sub3A_69 = arith.subf %exp3A, %sub3A_68 : vector<10000x32xf32>
    %select_n3A = arith.select %gt3A_65, %add3A_63, %sub3A_69 : vector<10000x32xi1>, vector<10000x32xf32>
    %get3A_70 = arith.constant 0 : index
    %get3A_71 = arith.constant 0 : index
    %get3A_72 = vector.load %arg10[%get3A_70, %get3A_71] : memref<32x32xf32, #tpu.memory_space<vmem>>, vector<32x32xf32>
    %dot_general3A_73 = arith.constant dense<0.000000e+00> : vector<10000x32xf32>
    %dot_general3A_74 = tpu.matmul %select_n3A, %get3A_72, %dot_general3A_73 {dimension_numbers = #tpu.dot_dimension_numbers<[1], [0], [0], [1], [0, 0, 1, 1], [], []>, transpose_lhs_hint = false} : vector<10000x32xf32>, vector<32x32xf32>, vector<10000x32xf32> -> vector<10000x32xf32>
    %get3A_75 = arith.constant 0 : index
    %get3A_76 = arith.constant 0 : index
    %get3A_77 = vector.load %arg11[%get3A_75, %get3A_76] : memref<1x32xf32, #tpu.memory_space<vmem>>, vector<1x32xf32>
    %add3A_78 = vector.broadcast %get3A_77 : vector<1x32xf32> to vector<10000x32xf32>
    %add3A_79 = arith.addf %dot_general3A_74, %add3A_78 : vector<10000x32xf32>
    %gt3A_80 = arith.constant 0.000000e+00 : f32
    %gt3A_81 = vector.broadcast %gt3A_80 : f32 to vector<10000x32xf32>
    %gt3A_82 = arith.cmpf ogt, %add3A_79, %gt3A_81 : vector<10000x32xf32>
    %min3A_83 = arith.constant 0.000000e+00 : f32
    %min3A_84 = vector.broadcast %min3A_83 : f32 to vector<10000x32xf32>
    %min3A_85 = arith.minimumf %add3A_79, %min3A_84 : vector<10000x32xf32>
    %exp3A_86 = math.exp %min3A_85 : vector<10000x32xf32>
    %sub3A_87 = arith.constant 1.000000e+00 : f32
    %sub3A_88 = vector.broadcast %sub3A_87 : f32 to vector<10000x32xf32>
    %sub3A_89 = arith.subf %exp3A_86, %sub3A_88 : vector<10000x32xf32>
    %select_n3A_90 = arith.select %gt3A_82, %add3A_79, %sub3A_89 : vector<10000x32xi1>, vector<10000x32xf32>
    %get3A_91 = arith.constant 0 : index
    %get3A_92 = arith.constant 0 : index
    %get3A_93 = vector.load %arg12[%get3A_91, %get3A_92] : memref<1x32xf32, #tpu.memory_space<vmem>>, vector<1x32xf32>
    %get3A_94 = arith.constant 0 : index
    %get3A_95 = arith.constant 0 : index
    %get3A_96 = vector.load %arg13[%get3A_94, %get3A_95] : memref<1x32xf32, #tpu.memory_space<vmem>>, vector<1x32xf32>
    %reduce_sum3A = arith.constant dense<0.000000e+00> : vector<32xf32>
    %reduce_sum3A_97 = vector.multi_reduction <add>, %select_n3A_90, %reduce_sum3A [0] : vector<10000x32xf32> to vector<32xf32>
    %broadcast_in_dim3A = vector.shape_cast %reduce_sum3A_97 : vector<32xf32> to vector<1x32xf32>
    %div3A = arith.constant 1.000000e+04 : f32
    %div3A_98 = vector.broadcast %div3A : f32 to vector<1x32xf32>
    %div3A_99 = arith.divf %broadcast_in_dim3A, %div3A_98 : vector<1x32xf32>
    %sub3A_100 = vector.broadcast %div3A_99 : vector<1x32xf32> to vector<10000x32xf32>
    %sub3A_101 = arith.subf %select_n3A_90, %sub3A_100 : vector<10000x32xf32>
    %integer_pow3A = arith.mulf %sub3A_101, %sub3A_101 : vector<10000x32xf32>
    %reduce_sum3A_102 = arith.constant dense<0.000000e+00> : vector<32xf32>
    %reduce_sum3A_103 = vector.multi_reduction <add>, %integer_pow3A, %reduce_sum3A_102 [0] : vector<10000x32xf32> to vector<32xf32>
    %broadcast_in_dim3A_104 = vector.shape_cast %reduce_sum3A_103 : vector<32xf32> to vector<1x32xf32>
    %div3A_105 = arith.constant 1.000000e+04 : f32
    %div3A_106 = vector.broadcast %div3A_105 : f32 to vector<1x32xf32>
    %div3A_107 = arith.divf %broadcast_in_dim3A_104, %div3A_106 : vector<1x32xf32>
    %sub3A_108 = vector.broadcast %div3A_99 : vector<1x32xf32> to vector<10000x32xf32>
    %sub3A_109 = arith.subf %select_n3A_90, %sub3A_108 : vector<10000x32xf32>
    %mul3A_110 = vector.broadcast %get3A_93 : vector<1x32xf32> to vector<10000x32xf32>
    %mul3A_111 = arith.mulf %mul3A_110, %sub3A_109 : vector<10000x32xf32>
    %add3A_112 = arith.constant 9.99999974E-6 : f32
    %add3A_113 = vector.broadcast %add3A_112 : f32 to vector<1x32xf32>
    %add3A_114 = arith.addf %div3A_107, %add3A_113 : vector<1x32xf32>
    %sqrt3A = math.sqrt %add3A_114 : vector<1x32xf32>
    %div3A_115 = vector.broadcast %sqrt3A : vector<1x32xf32> to vector<10000x32xf32>
    %div3A_116 = arith.divf %mul3A_111, %div3A_115 : vector<10000x32xf32>
    %add3A_117 = vector.broadcast %get3A_96 : vector<1x32xf32> to vector<10000x32xf32>
    %add3A_118 = arith.addf %div3A_116, %add3A_117 : vector<10000x32xf32>
    %swap3A = arith.constant 0 : index
    %swap3A_119 = arith.constant 0 : index
    %swap3A_120 = vector.load %arg14[%swap3A, %swap3A_119] : memref<10000x32xf32, #tpu.memory_space<vmem>>, vector<10000x32xf32>
    tpu.vector_store %arg14[%swap3A, %swap3A_119], %add3A_118 {strides = array<i32>} : memref<10000x32xf32, #tpu.memory_space<vmem>>, vector<10000x32xf32>,
    return
  }
}

</mosaic_0001>

<sc_bundles>
// kernel: kernel.6.cloned.1.call-start
scs
__scs_entry_jumppad:
0x0: {  	(pc) =	sbr.rel $0x88, $3  }
0x1: {  	(tag) =	ssettag $0x0;
	lr =	simm.s32 $0x1  }
0x2: {  	[smem:$0x3F8F] =	sst lr;
	_ =	strace $0xD0000000  }
0x3: {  	_ = 	snop  }
0x4: {  	_ = 	snop  }
0x5: {  	_ = 	snop  }
0x6: {  	_ = 	snop  }
0x7: {  	_ = 	snop  }
__scs_overlays_trampoline_lowered:
0x8: {  	[smem:$0x3F9E] =	sst s0  }
0x9: {  	[smem:$0x3F9F] =	sst s1  }
0xa: {  	[smem:$0x3FA0] =	sst s2  }
0xb: {  	[smem:$0x3FA1] =	sst s3  }
0xc: {  	[smem:$0x3FA2] =	sst s4  }
0xd: {  	[smem:$0x3FA3] =	sst s5  }
0xe: {  	[smem:$0x3FA4] =	sst s6  }
0xf: {  	[smem:$0x3FA5] =	sst s7  }
0x10: {  	[smem:$0x3FA6] =	sst s8  }
0x11: {  	[smem:$0x3FA7] =	sst s9;
	s0 =	simm.s32 @!p0 $0x0  }
0x12: {  	s1 =	sld [smem:$0x3F8D];
	s0 =	simm.s32 @p0 $0x1  }
0x13: {  	[smem:$0x3FA8] =	sst s0;
	s0 =	simm.s32 @!p1 $0x0  }
0x14: {  	s2 =	sld [smem:$0x3F8C];
	s0 =	simm.s32 @p1 $0x1  }
0x15: {  	[smem:$0x3FA9] =	sst s0;
	s0 =	simm.s32 @!p2 $0x0  }
0x16: {  	s3 =	sld [smem:$0x3FDB];
	s0 =	simm.s32 @p2 $0x1  }
0x17: {  	s4 =	simm.s32 $0x1BF5;
	[smem:$0x3FAB] =	sst s0  }
0x18: {  	s0 =	sld [smem:$0x3F8E];
	_ =	swait.ge [sflag:s4], $0x0  }
0x19: {  	s7 =	sld [smem:$0x3F8F]  }
0x1a: {  	s8 =	sadd.s32 $0xFFFFE003, lr  }
0x1b: {  	s9 =	sadd.s32 $0xFFFFFEF7, lr;
	s5 =	simm.s32 $0xFFFFFFFF;
	p2 =	slt.u32 s8, $0xFFFFF086  }
0x1c: {  	p1 =	slt.u32 s9, $0xF7A;
	s5 =	simm.s32 @!p2 $0x0  }
0x1d: {  	s5 =	simm.s32 @p1 $0x1;
	p0 =	seq.s32 s7, s2  }
0x1e: {  	s7 =	smul.u32 @!p0 $0xF7A, s2;
	p2 =	seq.s32 @!p0 s5, $0x0  }
0x1f: {  	s9 =	smul.u32 $0xF7A, s1;
	s8 =	simm.s32 @!p0 $0x1BF5;
	p2 =	por !p2, p0  }
0x20: {  	[sflag:s8] =	ssyncset.s32 @!p0 $0xFFFFF086;
	s6 =	sadd.s32 @!p0 s3, s7;
	s7 =	simm.s32 @!p0 $0x108  }
0x21: {  	s3 =	sadd.s32 s3, s9;
	s6 =	sadd.s32 @!p0 $0x88, s6;
	s7 =	simm.s32 @p2 $0x1082  }
0x22: {  	[simem:s7], [sflag:s8] =	dma.local @!p0 [hbm:s6], $0xF7A  }
0x23: {  	s9 =	sor.u32 $0xD0000000, s2;
	s6 =	simm.s32 $0x108;
	_ =	swait.ge @!p0 [sflag:s8], $0x0  }
0x24: {  	s3 =	sadd.s32 $0x88, s3;
	s6 =	simm.s32 @!p1 $0x1082;
	[sflag:s4] =	ssyncset.s32 $0xFFFFF086  }
0x25: {  	[simem:s6], [sflag:s4] =	dma.local [hbm:s3], $0xF7A  }
0x26: {  	[smem:$0x3F8F] =	sst s1;
	(tag) =	ssettag s2;
	_ =	strace s9  }
0x27: {  	s1 =	sld [smem:$0x3F9F]  }
0x28: {  	s2 =	sld [smem:$0x3FA0]  }
0x29: {  	s4 =	sld [smem:$0x3FA2]  }
0x2a: {  	p0 =	seq.s32 s5, $0x0;
	s5 =	sld [smem:$0x3FA3]  }
0x2b: {  	s6 =	sld [smem:$0x3FA4]  }
0x2c: {  	s7 =	sld [smem:$0x3FA5]  }
0x2d: {  	s3 =	simm.s32 $0x108;
	s8 =	sld [smem:$0x3FA6]  }
0x2e: {  	s3 =	simm.s32 @!p0 $0x1082;
	s9 =	sld [smem:$0x3FA7]  }
0x2f: {  	lr =	sadd.s32 s0, s3;
	s0 =	sld [smem:$0x3F9E]  }
0x30: {  	s3 =	sld [smem:$0x3FA1]  }
0x31: {  	[smem:$0x3FAA] =	sst s10  }
0x32: {  	s10 =	sld [smem:$0x3FA8];
	_ =	sdelay $0x3  }
0x33: {  	p0 =	seq.s32 s10, $0x1;
	s10 =	sld [smem:$0x3FAA];
	_ =	sdelay $0x3  }
0x34: {  	[smem:$0x3FAA] =	sst s10  }
0x35: {  	s10 =	sld [smem:$0x3FA9];
	_ =	sdelay $0x3  }
0x36: {  	p1 =	seq.s32 s10, $0x1;
	s10 =	sld [smem:$0x3FAA];
	_ =	sdelay $0x3  }
0x37: {  	[smem:$0x3FAA] =	sst s10  }
0x38: {  	s10 =	sld [smem:$0x3FAB]  }
0x39: {  	_ = 	snop;
	(pc) =	sbr.ind lr, $3  }
0x3a: {  	_ = 	snop  }
0x3b: {  	_ = 	snop  }
0x3c: {  	p2 =	seq.s32 s10, $0x1;
	s10 =	sld [smem:$0x3FAA]  }
0x3d: {  	_ =	shalt  }
0x3e: {  	_ =	shalt  }
0x3f: {  	_ =	shalt  }
0x40: {  	_ =	shalt  }
0x41: {  	_ =	shalt  }
0x42: {  	_ =	shalt  }
0x43: {  	_ =	shalt  }
0x44: {  	_ =	shalt  }
0x45: {  	_ =	shalt  }
0x46: {  	_ =	shalt  }
0x47: {  	_ =	shalt  }
0x48: {  	_ =	shalt  }
0x49: {  	_ =	shalt  }
0x4a: {  	_ =	shalt  }
0x4b: {  	_ =	shalt  }
0x4c: {  	_ =	shalt  }
0x4d: {  	_ =	shalt  }
0x4e: {  	_ =	shalt  }
0x4f: {  	_ =	shalt  }
0x50: {  	_ =	shalt  }
0x51: {  	_ =	shalt  }
0x52: {  	_ =	shalt  }
0x53: {  	_ =	shalt  }
0x54: {  	_ =	shalt  }
0x55: {  	_ =	shalt  }
0x56: {  	_ =	shalt  }
0x57: {  	_ =	shalt  }
0x58: {  	_ =	shalt  }
0x59: {  	_ =	shalt  }
0x5a: {  	_ =	shalt  }
0x5b: {  	_ =	shalt  }
0x5c: {  	_ =	shalt  }
0x5d: {  	_ =	shalt  }
0x5e: {  	_ =	shalt  }
0x5f: {  	_ =	shalt  }
0x60: {  	_ =	shalt  }
0x61: {  	_ =	shalt  }
0x62: {  	_ =	shalt  }
0x63: {  	_ =	shalt  }
0x64: {  	_ =	shalt  }
0x65: {  	_ =	shalt  }
0x66: {  	_ =	shalt  }
0x67: {  	_ =	shalt  }
0x68: {  	_ =	shalt  }
0x69: {  	_ =	shalt  }
0x6a: {  	_ =	shalt  }
0x6b: {  	_ =	shalt  }
0x6c: {  	_ =	shalt  }
0x6d: {  	_ =	shalt  }
0x6e: {  	_ =	shalt  }
0x6f: {  	_ =	shalt  }
0x70: {  	_ =	shalt  }
0x71: {  	_ =	shalt  }
0x72: {  	_ =	shalt  }
0x73: {  	_ =	shalt  }
0x74: {  	_ =	shalt  }
0x75: {  	_ =	shalt  }
0x76: {  	_ =	shalt  }
0x77: {  	_ =	shalt  }
0x78: {  	_ =	shalt  }
0x79: {  	_ =	shalt  }
0x7a: {  	_ =	shalt  }
0x7b: {  	_ =	shalt  }
0x7c: {  	_ =	shalt  }
0x7d: {  	_ =	shalt  }
0x7e: {  	_ =	shalt  }
0x7f: {  	_ =	shalt  }
0x80: {  	_ =	shalt  }
0x81: {  	_ =	shalt  }
0x82: {  	_ =	shalt  }
0x83: {  	_ =	shalt  }
0x84: {  	_ =	shalt  }
0x85: {  	_ =	shalt  }
0x86: {  	_ =	shalt  }
0x87: {  	_ =	shalt  }
.Lfunc_end0:
.L_simem_size_0:
called_computation_lowered:
.L_overlay_start_0:
0x88: {  	s2 =	sld [smem:$0x3FD9]  }
0x89: {  	s3 =	sld [smem:$0x3FFE];
	_ =	sdelay $0x1  }
0x8a: {  	s1 =	srdreg.scid  }
0x8b: {  	s0 =	sand.u32 $0x1, s1  }
0x8c: {  	s16 =	sshll.u32 s0, $0xA;
	s2 =	sadd.s32 s3, s2  }
0x8d: {  	s2 =	sadd.s32 s2, s16  }
0x8e: {  	[smem:$0x3FB6] =	sst s2  }
0x8f: {  	_ = 	snop  }
0x90: {  	(tm) =	ssettm $0x1  }
0x91: {  	s17 =	sld [smem:$0x3FFB];
	_ =	sdelay $0x3  }
0x92: {  	_ =	strace s17  }
0x93: {  	s2 =	sld [smem:$0x3FFC];
	_ =	sdelay $0x3  }
0x94: {  	_ =	strace s2  }
0x95: {  	s2 =	sld [smem:$0x3FFD];
	_ =	sdelay $0x3  }
0x96: {  	_ =	strace s2  }
0x97: {  	_ =	strace $0x8FFFFFFF  }
0x98: {  	s18 =	sld [smem:$0x3FDB];
	_ =	sdelay $0x1  }
0x99: {  	s19 =	simm.s32 $_scs_section_size  }
0x9a: {  	s4 =	simm.s32 $_size__tile_overlayer_lowered;
	s5 =	simm.s32 $_tile_overlayer_lowered  }
0x9b: {  	s22 =	simm.s32 $0x1BFF;
	s21 =	sshll.u32 s5, $0x1;
	s2 =	sadd.s32 s19, s18  }
0x9c: {  	s6 =	simm.s32 $0x0;
	s20 =	sshll.u32 s4, $0x1;
	s4 =	sadd.s32 s21, s2  }
0x9d: {  	[timem:s6], [sflag:s22] =	dma.local [hbm:s4], s20  }
0x9e: {  	_ =	swait.ge [sflag:s22], s20  }
0x9f: {  	s3 =	ssub.s32 $0x0, s20;
	[sflag:s22] =	ssyncset.done $0x0  }
0xa0: {  	[sflag:s22] =	ssyncadd.s32 s3;
	_ =	sdelay $0x1  }
0xa1: {  	s23 =	simm.s32 $0x1B8B  }
0xa2: {  	_ =	swait.ge [sflag:s23], $0x1  }
0xa3: {  	[sflag:s23] =	ssyncset.done $0x0  }
0xa4: {  	s25 =	simm.s32 $0x1B8E;
	s24 =	sld [smem:$0x3FFE];
	[sflag:s23] =	ssyncadd.s32 $0xFFFFFFFF  }
0xa5: {  	s26 =	simm.s32 $execute0_lowered;
	[smem:$0x3FD2] =	sst s25  }
0xa6: {  	s4 =	sshll.u32 s26, $0x1;
	_ =	strace $0x80000046;
	[dreg:$0x1] =	wrdreg $0xFFFFFFFF  }
0xa7: {  	s28 =	simm.s32 $_size_execute0_lowered;
	s2 =	sadd.s32 s2, s4;
	[dreg:$0x0] =	wrdreg $0x0  }
0xa8: {  	s4 =	sshll.u32 s28, $0x1;
	[dreg:$0x2] =	wrdreg s2  }
0xa9: {  	[dreg:$0x3] =	wrdreg s4  }
0xaa: {  	[dreg:$0x4] =	wrdreg $0xC0  }
0xab: {  	_ =	task [dreg:s6], $0x5FFFF  }
0xac: {  	[dreg:$0x1] =	wrdreg $0xFFFFFFFF  }
0xad: {  	[dreg:$0x0] =	wrdreg $0x60  }
0xae: {  	[dreg:$0x2] =	wrdreg s24  }
0xaf: {  	[dreg:$0x3] =	wrdreg $0x9  }
0xb0: {  	_ =	task.clear_ibuf [dreg:s6], $0x4FFFF;
	_ =	strace $0x90000046  }
0xb1: {  	s29 =	simm.s32 $0x9;
	_ =	strace $0x80000048  }
0xb2: {  	_ =	swait.ge [sflag:s29], $0x1  }
0xb3: {  	[sflag:s29] =	ssyncadd.s32 $0xFFFFFFFF  }
0xb4: {  	_ =	strace $0x90000048  }
0xb5: {  	_ =	sfence  }
0xb6: {  	s30 =	sld [smem:$0x0];
	_ =	sdelay $0x2  }
0xb7: {  	s31 =	sshll.u32 s1, $0xD;
	s1 =	sshrl.u32 s1, $0x2  }
0xb8: {  	s3 =	sand.u32 $0x4000, s31;
	s1 =	sadd.s32 s1, s30  }
0xb9: {  	s0 =	sor.u32 s3, s0;
	s1 =	sshll.u32 s1, $0x11  }
0xba: {  	s0 =	sor.u32 s1, s0  }
0xbb: {  	s0 =	sadd.s32 $0x8F2B, s0  }
0xbc: {  	[sflag:s0] =	ssyncadd.remote.s32 $0x1  }
0xbd: {  	_ =	sfence.sel $0xFFFF  }
0xbe: {  	[dreg:$0x0] =	wrdreg $0xFFFFFFFF;
	(pc) =	sbr.abs _section_cstart, $3  }
0xbf: {  	[dreg:$0x1] =	wrdreg $0xFFFFFFFF  }
0xc0: {  	_ =	task.clear_ibuf [dreg:s6], $0x2FFFF;
	_ =	strace $0x9FFFFFFF  }
0xc1: {  	(tm) =	ssettm $0x7FFFFFFF  }
tec
execute0_lowered:
.L_overlay_start_1:
0x0: {  	(tag) =	ssettag $0x1  }
0x1: {  	s1 =	srdreg.scid;
	s0 =	stileid.u32  }
0x2: {  	s4 =	rddreg [dreg:$0x0];
	s2 =	simm.s32 $0x0;
	s9 =	simm.s32 $0x3C00  }
0x3: {  	s10 =	simm.s32 $0x30;
	s11 =	simm.s32 $0x7800;
	s12 =	simm.s32 $0x1  }
0x4: {  	s13 =	simm.s32 $0x7E00;
	s3 =	sand.u32 $0x1, s1;
	s30 =	sshll.u32 s0, $0x1  }
0x5: {  	s14 =	simm.s32 $0x0;
	s1 =	rddreg [dreg:$0x1];
	s5 =	sor.u32 s3, s30  }
0x6: {  	[smem:$0x7FF] =	sst s2;
	s7 =	ssub.s32 $0x2, s3;
	s6 =	smul.u32 $0x780, s5  }
0x7: {  	_ =	strace $0x80000047;
	s5 =	smul.u32 $0xA00, s5;
	s31 =	sshrl.u32 s7, $0x1  }
0x8: {  	s3 =	sadd.s32 $0x29E00, s4;
	s7 =	ssub.s32 s7, s31;
	s6 =	sadd.s32 s6, s4  }
0x9: {  	s8 =	sadd.s32 s5, s4;
	s7 =	smax.u32 s7, $0x1;
	s4 =	sadd.s32 $0x33E00, s6  }
0xa: {  	s5 =	sadd.s32 $0x42E00, s6;
	s6 =	sadd.s32 $0x51E00, s8;
	s8 =	simm.s32 $0x2  }
.LBB2_1:
0xb: {  	[tilespmem:s2], [sflag:$0x2] =	stream.linear.gather [hbm4b:s4+s2], $0x3C00, $0x38;
	[tilespmem:$0xCE00] =	vst v63  }
0xc: {  	_ =	swait.ge [sflag:s8], $0x3C00  }
0xd: {  	[sflag:s8] =	ssyncset.done $0x0  }
0xe: {  	[sflag:s8] =	ssyncadd.s32 $0xFFFFC400  }
0xf: {  	[tilespmem:s9], [sflag:$0x2] =	stream.linear.gather [hbm4b:s5+s2], $0x3C00, $0x38;
	[tilespmem:$0xCE00] =	vst v63  }
0x10: {  	_ =	swait.ge [sflag:s8], $0x3C00  }
0x11: {  	s15 =	simm.s32 $0x7E20;
	[sflag:s8] =	ssyncset.done $0x0  }
0x12: {  	s16 =	simm.s32 $0x0;
	s17 =	simm.s32 $0x0;
	[sflag:s8] =	ssyncadd.s32 $0xFFFFC400  }
.LBB2_2:
0x13: {  	[tilespmem:s11], [sflag:$0x1] =	stream.indirect.gather [hbm4b:s3+s10], $0x20, s16, s10, $0xb8;
	[tilespmem:$0xCE00] =	vst v63  }
0x14: {  	_ =	swait.ge [sflag:s12], $0x600  }
0x15: {  	[sflag:s12] =	ssyncset.done $0x0  }
0x16: {  	[sflag:s12] =	ssyncadd.s32 $0xFFFFFA00  }
0x17: {  	v3 =	vld [tilespmem:$0x7800]  }
0x18: {  	v5 =	vld [tilespmem:$0x7810]  }
0x19: {  	v6 =	vld [tilespmem:$0x7820]  }
0x1a: {  	v8 =	vld [tilespmem:$0x7830]  }
0x1b: {  	v9 =	vld [tilespmem:$0x7840]  }
0x1c: {  	v11 =	vld [tilespmem:$0x7850]  }
0x1d: {  	v12 =	vld [tilespmem:$0x7860]  }
0x1e: {  	v14 =	vld [tilespmem:$0x7870]  }
0x1f: {  	v15 =	vld [tilespmem:$0x7880]  }
0x20: {  	v17 =	vld [tilespmem:$0x7890]  }
0x21: {  	v18 =	vld [tilespmem:$0x78A0]  }
0x22: {  	v20 =	vld [tilespmem:$0x78B0]  }
0x23: {  	v21 =	vld [tilespmem:$0x78C0]  }
0x24: {  	v23 =	vld [tilespmem:$0x78D0]  }
0x25: {  	v24 =	vld [tilespmem:$0x78E0]  }
0x26: {  	v26 =	vld [tilespmem:$0x78F0]  }
0x27: {  	v27 =	vld [tilespmem:$0x7900]  }
0x28: {  	v29 =	vld [tilespmem:$0x7910]  }
0x29: {  	v55 =	vld [tilespmem:$0x7920]  }
0x2a: {  	v31 =	vld [tilespmem:$0x7930]  }
0x2b: {  	v56 =	vld [tilespmem:$0x7940]  }
0x2c: {  	v35 =	vld [tilespmem:$0x7950]  }
0x2d: {  	v57 =	vld [tilespmem:$0x7960]  }
0x2e: {  	v37 =	vld [tilespmem:$0x7970]  }
0x2f: {  	v0 =	vmov s17;
	v58 =	vld [tilespmem:$0x7980]  }
0x30: {  	v0 =	vmul.u32 $0x30, v0;
	v39 =	vld [tilespmem:$0x7990]  }
0x31: {  	v59 =	vld [tilespmem:$0x79A0]  }
0x32: {  	v0 =	vbroadcast v0, $0x0;
	v41 =	vld [tilespmem:$0x79B0]  }
0x33: {  	v60 =	vld [tilespmem:$0x79C0]  }
0x34: {  	v43 =	vld [tilespmem:$0x79D0];
	v1 =	vor.u32 $0x1, v0  }
0x35: {  	v45 =	vld [tilespmem:$0x79F0];
	v4 =	vor.u32 $0x2, v0  }
0x36: {  	v49 =	vld [tilespmem:$0x7A50];
	v7 =	vor.u32 $0x3, v0  }
0x37: {  	v53 =	vld [tilespmem:$0x7A80];
	v10 =	vor.u32 $0x4, v0  }
0x38: {  	v13 =	vor.u32 $0x5, v0;
	v2 =	vld.idx.msk [tilespmem:v0+s9+$0x0], $0xffff  }
0x39: {  	v16 =	vor.u32 $0x6, v0;
	v1 =	vld.idx.msk [tilespmem:v1+s9+$0x0], $0xffff  }
0x3a: {  	v19 =	vor.u32 $0x7, v0;
	v4 =	vld.idx.msk [tilespmem:v4+s9+$0x0], $0xffff  }
0x3b: {  	v22 =	vor.u32 $0x8, v0;
	v7 =	vld.idx.msk [tilespmem:v7+s9+$0x0], $0xffff  }
0x3c: {  	v25 =	vor.u32 $0x9, v0;
	v10 =	vld.idx.msk [tilespmem:v10+s9+$0x0], $0xffff  }
0x3d: {  	v28 =	vor.u32 $0xA, v0;
	v13 =	vld.idx.msk [tilespmem:v13+s9+$0x0], $0xffff  }
0x3e: {  	v30 =	vor.u32 $0xB, v0;
	v16 =	vld.idx.msk [tilespmem:v16+s9+$0x0], $0xffff  }
0x3f: {  	v34 =	vor.u32 $0xC, v0;
	v19 =	vld.idx.msk [tilespmem:v19+s9+$0x0], $0xffff  }
0x40: {  	v36 =	vor.u32 $0xD, v0;
	v38 =	vor.u32 $0xE, v0;
	v40 =	vor.u32 $0xF, v0;
	v22 =	vld.idx.msk [tilespmem:v22+s9+$0x0], $0xffff  }
0x41: {  	v42 =	vadd.s32 $0x10, v0;
	v25 =	vld.idx.msk [tilespmem:v25+s9+$0x0], $0xffff;
	v3 =	vmul.f32 v3, v2;
	v2 =	vmul.f32 v5, v2  }
0x42: {  	v44 =	vadd.s32 $0x11, v0;
	v28 =	vld.idx.msk [tilespmem:v28+s9+$0x0], $0xffff;
	v6 =	vmul.f32 v6, v1;
	v1 =	vmul.f32 v8, v1  }
0x43: {  	v46 =	vadd.s32 $0x12, v0;
	v30 =	vld.idx.msk [tilespmem:v30+s9+$0x0], $0xffff;
	v9 =	vmul.f32 v9, v4;
	v4 =	vmul.f32 v11, v4  }
0x44: {  	v63 =	vadd.s32 $0x13, v0;
	v34 =	vld.idx.msk [tilespmem:v34+s9+$0x0], $0xffff;
	v12 =	vmul.f32 v12, v7;
	v7 =	vmul.f32 v14, v7  }
0x45: {  	v48 =	vadd.s32 $0x14, v0;
	v36 =	vld.idx.msk [tilespmem:v36+s9+$0x0], $0xffff;
	v15 =	vmul.f32 v15, v10;
	v10 =	vmul.f32 v17, v10  }
0x46: {  	v51 =	vadd.s32 $0x15, v0;
	v38 =	vld.idx.msk [tilespmem:v38+s9+$0x0], $0xffff;
	v18 =	vmul.f32 v18, v13;
	v13 =	vmul.f32 v20, v13  }
0x47: {  	v54 =	vadd.s32 $0x16, v0;
	v40 =	vld.idx.msk [tilespmem:v40+s9+$0x0], $0xffff;
	v21 =	vmul.f32 v21, v16;
	v16 =	vmul.f32 v23, v16  }
0x48: {  	v42 =	vld.idx.msk [tilespmem:v42+s9+$0x0], $0xffff;
	v24 =	vmul.f32 v24, v19;
	v19 =	vmul.f32 v26, v19;
	v32 =	vadd.f32 $0.0e+00, v3  }
0x49: {  	v23 =	vld [tilespmem:$0x79E0];
	v27 =	vmul.f32 v27, v22;
	v22 =	vmul.f32 v29, v22;
	v33 =	vadd.f32 $0.0e+00, v2  }
0x4a: {  	v26 =	vld [tilespmem:$0x7A00];
	v5 =	vmul.f32 v55, v25;
	v47 =	vmul.f32 v31, v25;
	v32 =	vadd.f32 v6, v32  }
0x4b: {  	v29 =	vld [tilespmem:$0x7A20];
	v8 =	vmul.f32 v56, v28;
	v50 =	vmul.f32 v35, v28;
	v33 =	vadd.f32 v1, v33  }
0x4c: {  	v25 =	vld [tilespmem:$0x7A40];
	v11 =	vmul.f32 v57, v30;
	v52 =	vmul.f32 v37, v30;
	v32 =	vadd.f32 v9, v32  }
0x4d: {  	v28 =	vld [tilespmem:$0x7A60];
	v14 =	vmul.f32 v58, v34;
	v55 =	vmul.f32 v39, v34;
	v33 =	vadd.f32 v4, v33  }
0x4e: {  	v56 =	vadd.s32 $0x17, v0;
	v17 =	vmul.f32 v59, v36;
	v31 =	vld [tilespmem:$0x7AC0];
	v32 =	vadd.f32 v12, v32  }
0x4f: {  	v57 =	vmul.f32 v41, v36;
	v58 =	vadd.s32 $0x18, v0;
	v34 =	vld [tilespmem:$0x7AE0];
	v33 =	vadd.f32 v7, v33  }
0x50: {  	v59 =	vmul.f32 v60, v38;
	v60 =	vmul.f32 v43, v38;
	v35 =	vld [tilespmem:$0x7B00];
	v32 =	vadd.f32 v15, v32  }
0x51: {  	v43 =	vadd.s32 $0x1B, v0;
	v37 =	vld [tilespmem:$0x7BD0];
	v3 =	vmax.f32 v3, v6;
	v33 =	vadd.f32 v10, v33  }
0x52: {  	v1 =	vmax.f32 v2, v1;
	v2 =	vld [tilespmem:$0x7A10];
	v3 =	vmax.f32 v3, v9;
	v32 =	vadd.f32 v18, v32  }
0x53: {  	v1 =	vmax.f32 v1, v4;
	v3 =	vmax.f32 v3, v12;
	v4 =	vld [tilespmem:$0x7A30];
	v33 =	vadd.f32 v13, v33  }
0x54: {  	v1 =	vmax.f32 v1, v7;
	v9 =	vld.idx.msk [tilespmem:v46+s9+$0x0], $0xffff;
	v3 =	vmax.f32 v3, v15;
	v32 =	vadd.f32 v21, v32  }
0x55: {  	v23 =	vmul.f32 v23, v40;
	v41 =	vmul.f32 v26, v42;
	v46 =	vld [tilespmem:$0x7B40];
	v33 =	vadd.f32 v16, v33  }
0x56: {  	v1 =	vmax.f32 v1, v10;
	v3 =	vmax.f32 v3, v18;
	v12 =	vld.idx.msk [tilespmem:v54+s9+$0x0], $0xffff;
	v61 =	vadd.f32 v24, v32  }
0x57: {  	v1 =	vmax.f32 v1, v13;
	v3 =	vmax.f32 v3, v21;
	v54 =	vld [tilespmem:$0x7B80];
	v62 =	vadd.f32 v19, v33  }
0x58: {  	v1 =	vmax.f32 v1, v16;
	v2 =	vmul.f32 v2, v42;
	v42 =	vld [tilespmem:$0x7B20];
	v6 =	vadd.f32 v27, v61  }
0x59: {  	v3 =	vmax.f32 v3, v24;
	v1 =	vmax.f32 v1, v19;
	v32 =	vld.idx.msk [tilespmem:v44+s9+$0x0], $0xffff;
	v44 =	vadd.f32 v22, v62  }
0x5a: {  	v15 =	vld.idx.msk [tilespmem:v63+s9+$0x0], $0xffff;
	v3 =	vmax.f32 v3, v27;
	v63 =	vadd.s32 $0x1A, v0;
	v6 =	vadd.f32 v5, v6  }
0x5b: {  	v10 =	vld [tilespmem:$0x7B60];
	v1 =	vmax.f32 v1, v22;
	v3 =	vmax.f32 v3, v5;
	v7 =	vadd.f32 v47, v44  }
0x5c: {  	v13 =	vld [tilespmem:$0x7A70];
	v1 =	vmax.f32 v1, v47;
	v3 =	vmax.f32 v3, v8;
	v6 =	vadd.f32 v8, v6  }
0x5d: {  	v1 =	vmax.f32 v1, v50;
	v3 =	vmax.f32 v3, v11;
	v16 =	vld.idx.msk [tilespmem:v48+s9+$0x0], $0xffff;
	v7 =	vadd.f32 v50, v7  }
0x5e: {  	v1 =	vmax.f32 v1, v52;
	v3 =	vmax.f32 v3, v14;
	v21 =	vld.idx.msk [tilespmem:v58+s9+$0x0], $0xffff;
	v6 =	vadd.f32 v11, v6  }
0x5f: {  	v48 =	vmul.f32 v25, v9;
	v25 =	vld.idx.msk [tilespmem:v43+s9+$0x0], $0xffff;
	v9 =	vmul.f32 v49, v9;
	v7 =	vadd.f32 v52, v7  }
0x60: {  	v49 =	vadd.s32 $0x1D, v0;
	v43 =	vld [tilespmem:$0x7BF0];
	v1 =	vmax.f32 v1, v55;
	v6 =	vadd.f32 v14, v6  }
0x61: {  	v3 =	vmax.f32 v3, v17;
	v19 =	vld [tilespmem:$0x7A90];
	v1 =	vmax.f32 v1, v57;
	v7 =	vadd.f32 v55, v7  }
0x62: {  	v24 =	vld.idx.msk [tilespmem:v51+s9+$0x0], $0xffff;
	v3 =	vmax.f32 v3, v59;
	v51 =	vmul.f32 v28, v15;
	v6 =	vadd.f32 v17, v6  }
0x63: {  	v33 =	vld [tilespmem:$0x7AA0];
	v1 =	vmax.f32 v1, v60;
	v3 =	vmax.f32 v3, v23;
	v7 =	vadd.f32 v57, v7  }
0x64: {  	v61 =	vadd.s32 $0x19, v0;
	v62 =	vmul.f32 v45, v40;
	v40 =	vld [tilespmem:$0x7B10];
	v6 =	vadd.f32 v59, v6  }
0x65: {  	v13 =	vmul.f32 v13, v15;
	v3 =	vmax.f32 v3, v41;
	v5 =	vld [tilespmem:$0x7AB0];
	v7 =	vadd.f32 v60, v7  }
0x66: {  	v53 =	vmul.f32 v53, v16;
	v38 =	vmul.f32 v35, v21;
	v44 =	vld [tilespmem:$0x7B30];
	v6 =	vadd.f32 v23, v6  }
0x67: {  	v45 =	vmul.f32 v29, v32;
	v4 =	vmul.f32 v4, v32;
	v32 =	vld [tilespmem:$0x7BC0];
	v7 =	vadd.f32 v62, v7  }
0x68: {  	v10 =	vmul.f32 v10, v25;
	v35 =	vadd.s32 $0x25, v0;
	v8 =	vld [tilespmem:$0x7AD0];
	v6 =	vadd.f32 v41, v6  }
0x69: {  	v1 =	vmax.f32 v1, v62;
	v47 =	vadd.s32 $0x1C, v0;
	v18 =	vld.idx.msk [tilespmem:v61+s9+$0x0], $0xffff;
	v7 =	vadd.f32 v2, v7  }
0x6a: {  	v1 =	vmax.f32 v1, v2;
	v61 =	vmul.f32 v31, v12;
	v31 =	vld [tilespmem:$0x7BB0];
	v6 =	vadd.f32 v45, v6  }
0x6b: {  	v58 =	vmul.f32 v33, v24;
	v3 =	vmax.f32 v3, v45;
	v11 =	vld.idx.msk [tilespmem:v56+s9+$0x0], $0xffff;
	v7 =	vadd.f32 v4, v7  }
0x6c: {  	v1 =	vmax.f32 v1, v4;
	v52 =	vld [tilespmem:$0x7B70];
	v3 =	vmax.f32 v3, v48;
	v50 =	vadd.f32 v48, v6  }
0x6d: {  	v1 =	vmax.f32 v1, v9;
	v56 =	vmul.f32 v19, v16;
	v19 =	vld.idx.msk [tilespmem:v49+s9+$0x0], $0xffff;
	v7 =	vadd.f32 v9, v7  }
0x6e: {  	v49 =	vld [tilespmem:$0x7C10];
	v3 =	vmax.f32 v3, v51;
	v5 =	vmul.f32 v5, v24;
	v4 =	vadd.f32 v51, v50  }
0x6f: {  	v15 =	vld.idx.msk [tilespmem:v47+s9+$0x0], $0xffff;
	v1 =	vmax.f32 v1, v13;
	v55 =	vadd.s32 $0x1E, v0;
	v7 =	vadd.f32 v13, v7  }
0x70: {  	v14 =	vld [tilespmem:$0x7AF0];
	v3 =	vmax.f32 v3, v53;
	v1 =	vmax.f32 v1, v56;
	v4 =	vadd.f32 v53, v4  }
0x71: {  	v47 =	vld [tilespmem:$0x7C00];
	v8 =	vmul.f32 v8, v12;
	v3 =	vmax.f32 v3, v58;
	v7 =	vadd.f32 v56, v7  }
0x72: {  	v1 =	vmax.f32 v1, v5;
	v57 =	vld [tilespmem:$0x7B90];
	v17 =	vmul.f32 v40, v21;
	v4 =	vadd.f32 v58, v4  }
0x73: {  	v40 =	vld [tilespmem:$0x7BE0];
	v42 =	vmul.f32 v42, v18;
	v3 =	vmax.f32 v3, v61;
	v7 =	vadd.f32 v5, v7  }
0x74: {  	v44 =	vmul.f32 v44, v18;
	v59 =	vld [tilespmem:$0x7BA0];
	v62 =	vmul.f32 v34, v11;
	v4 =	vadd.f32 v61, v4  }
0x75: {  	v60 =	vadd.s32 $0x1F, v0;
	v36 =	vmul.f32 v14, v11;
	v23 =	vld.idx.msk [tilespmem:v63+s9+$0x0], $0xffff;
	v7 =	vadd.f32 v8, v7  }
0x76: {  	v1 =	vmax.f32 v1, v8;
	v54 =	vmul.f32 v54, v15;
	v2 =	vld [tilespmem:$0x7B50];
	v4 =	vadd.f32 v62, v4  }
0x77: {  	v12 =	vld.idx.msk [tilespmem:v55+s9+$0x0], $0xffff;
	v63 =	vadd.s32 $0x20, v0;
	v1 =	vmax.f32 v1, v36;
	v7 =	vadd.f32 v36, v7  }
0x78: {  	v55 =	vld [tilespmem:$0x7C30];
	v57 =	vmul.f32 v57, v15;
	v41 =	vadd.s32 $0x21, v0;
	v4 =	vadd.f32 v38, v4  }
0x79: {  	v34 =	vld [tilespmem:$0x7C60];
	v3 =	vmax.f32 v3, v62;
	v1 =	vmax.f32 v1, v17;
	v7 =	vadd.f32 v17, v7  }
0x7a: {  	v39 =	vld.idx.msk [tilespmem:v60+s9+$0x0], $0xffff;
	v3 =	vmax.f32 v3, v38;
	v46 =	vmul.f32 v46, v23;
	v4 =	vadd.f32 v42, v4  }
0x7b: {  	v59 =	vmul.f32 v59, v19;
	v60 =	vld [tilespmem:$0x7C40];
	v2 =	vmul.f32 v2, v23;
	v7 =	vadd.f32 v44, v7  }
0x7c: {  	v1 =	vmax.f32 v1, v44;
	v11 =	vmul.f32 v37, v12;
	v45 =	vld.idx.msk [tilespmem:v63+s9+$0x0], $0xffff;
	v4 =	vadd.f32 v46, v4  }
0x7d: {  	v37 =	vld [tilespmem:$0x7C70];
	v48 =	vadd.s32 $0x22, v0;
	v51 =	vmul.f32 v52, v25;
	v7 =	vadd.f32 v2, v7  }
0x7e: {  	v3 =	vmax.f32 v3, v42;
	v33 =	vmul.f32 v32, v12;
	v50 =	vld.idx.msk [tilespmem:v41+s9+$0x0], $0xffff;
	v4 =	vadd.f32 v10, v4  }
0x7f: {  	v63 =	vld [tilespmem:$0x7C50];
	v3 =	vmax.f32 v3, v46;
	v53 =	vadd.s32 $0x23, v0;
	v56 =	vadd.f32 v51, v7  }
0x80: {  	v52 =	vld [tilespmem:$0x7C20];
	v14 =	vmul.f32 v43, v39;
	v41 =	vadd.s32 $0x26, v0;
	v4 =	vadd.f32 v54, v4  }
0x81: {  	v43 =	vmul.f32 v49, v45;
	v49 =	vld [tilespmem:$0x7CB0];
	v62 =	vmul.f32 v31, v19;
	v6 =	vadd.f32 v57, v56  }
0x82: {  	v3 =	vmax.f32 v3, v10;
	v1 =	vmax.f32 v1, v2;
	v58 =	vld.idx.msk [tilespmem:v48+s9+$0x0], $0xffff;
	v4 =	vadd.f32 v59, v4  }
0x83: {  	v3 =	vmax.f32 v3, v54;
	v22 =	vmul.f32 v55, v50;
	v55 =	vld [tilespmem:$0x7CD0];
	v6 =	vadd.f32 v62, v6  }
0x84: {  	v61 =	vadd.s32 $0x24, v0;
	v27 =	vld.idx.msk [tilespmem:v53+s9+$0x0], $0xffff;
	v36 =	vmul.f32 v40, v39;
	v4 =	vadd.f32 v33, v4  }
0x85: {  	v1 =	vmax.f32 v1, v51;
	v3 =	vmax.f32 v3, v59;
	v53 =	vld [tilespmem:$0x7CC0];
	v6 =	vadd.f32 v11, v6  }
0x86: {  	v1 =	vmax.f32 v1, v57;
	v39 =	vmul.f32 v47, v45;
	v40 =	vld [tilespmem:$0x7C80];
	v4 =	vadd.f32 v36, v4  }
0x87: {  	v0 =	vadd.s32 $0x27, v0;
	v45 =	vmul.f32 v52, v50;
	v47 =	vld [tilespmem:$0x7CA0];
	v42 =	vadd.f32 v14, v6  }
0x88: {  	v48 =	vmul.f32 v60, v58;
	v50 =	vmul.f32 v63, v58;
	v58 =	vld [tilespmem:$0x7CE0];
	v4 =	vadd.f32 v39, v4  }
0x89: {  	v3 =	vmax.f32 v3, v33;
	v1 =	vmax.f32 v1, v62;
	v38 =	vld.idx.msk [tilespmem:v61+s9+$0x0], $0xffff;
	v2 =	vadd.f32 v43, v42  }
0x8a: {  	v3 =	vmax.f32 v3, v36;
	v1 =	vmax.f32 v1, v11;
	v44 =	vld [tilespmem:$0x7C90];
	v4 =	vadd.f32 v45, v4  }
0x8b: {  	v3 =	vmax.f32 v3, v39;
	v52 =	vmul.f32 v34, v27;
	v46 =	vld.idx.msk [tilespmem:v35+s9+$0x0], $0xffff;
	v2 =	vadd.f32 v22, v2  }
0x8c: {  	v0 =	vld.idx.msk [tilespmem:v0+s9+$0x0], $0xffff;
	v1 =	vmax.f32 v1, v14;
	v3 =	vmax.f32 v3, v45;
	v4 =	vadd.f32 v48, v4  }
0x8d: {  	v1 =	vmax.f32 v1, v43;
	v51 =	vld.idx.msk [tilespmem:v41+s9+$0x0], $0xffff;
	v54 =	vmul.f32 v37, v27;
	v2 =	vadd.f32 v50, v2  }
0x8e: {  	v60 =	vld [tilespmem:$0x7CF0];
	v3 =	vmax.f32 v3, v48;
	v56 =	vmul.f32 v40, v38;
	v4 =	vadd.f32 v52, v4  }
0x8f: {  	v1 =	vmax.f32 v1, v22;
	v57 =	vmul.f32 v44, v38;
	v2 =	vadd.f32 v54, v2  }
0x90: {  	v3 =	vmax.f32 v3, v52;
	v59 =	vmul.f32 v47, v46;
	v4 =	vadd.f32 v56, v4  }
0x91: {  	v1 =	vmax.f32 v1, v50;
	v61 =	vmul.f32 v49, v46;
	v2 =	vadd.f32 v57, v2  }
0x92: {  	v63 =	vmul.f32 v58, v0;
	v12 =	vmul.f32 v53, v51;
	v4 =	vadd.f32 v59, v4  }
0x93: {  	v0 =	vmul.f32 v60, v0;
	v62 =	vmul.f32 v55, v51;
	v2 =	vadd.f32 v61, v2  }
0x94: {  	v1 =	vmax.f32 v1, v54;
	v3 =	vmax.f32 v3, v56;
	v4 =	vadd.f32 v12, v4  }
0x95: {  	v1 =	vmax.f32 v1, v57;
	v3 =	vmax.f32 v3, v59;
	v2 =	vadd.f32 v62, v2  }
0x96: {  	p0 =	sne.s32 s17, $0x13F;
	v1 =	vmax.f32 v1, v61;
	v3 =	vmax.f32 v3, v12;
	v4 =	vadd.f32 v63, v4  }
.Ltmp0:
0x97: {  	v1 =	vmax.f32 v1, v62;
	v3 =	vmax.f32 v3, v63;
	v2 =	vadd.f32 v0, v2;
	(pc) =	sbr.rel @p0 .LBB2_2-.Ltmp0, $4  }
0x98: {  	[tilespmem:s15+$0x0] =	vst v3;
	v0 =	vmax.f32 v1, v0;
	v4 =	vmul.f32 $2.500000040e-02, v4  }
0x99: {  	[tilespmem:s15+$0x10] =	vst v0;
	v2 =	vmul.f32 $2.500000040e-02, v2  }
0x9a: {  	[tilespmem:s15+$0xFFFFFFE0] =	vst v4  }
0x9b: {  	s16 =	sadd.s32 $0x30, s16;
	s17 =	sadd.s32 $0x1, s17;
	[tilespmem:s15+$0xFFFFFFF0] =	vst v2;
	s15 =	sadd.s32 $0x40, s15  }
0x9c: {  	s14 =	sadd.s32 $0x1, s14  }
0x9d: {  	p0 =	sne.s32 s14, s7  }
.Ltmp1:
0x9e: {  	_ = 	snop;
	(pc) =	sbr.rel @p0 .LBB2_1-.Ltmp1, $4  }
0x9f: {  	[hbm4b:s6+s2] =	stream.linear.scatter [tilespmem:s13], [sflag:$0x2], $0x5000, $0x38;
	[tilespmem:$0xCE00] =	vst v63  }
0xa0: {  	_ =	swait.ge [sflag:s8], $0x5000  }
0xa1: {  	[sflag:s8] =	ssyncset.done $0x0  }
0xa2: {  	[sflag:s8] =	ssyncadd.s32 $0xFFFFB000  }
0xa3: {  	_ =	sfence.sel $0x180000  }
0xa4: {  	[bflag:$0x0] =	sbarrier.arrive $0xFFFF  }
0xa5: {  	p0 =	sne.s32 s0, $0x0;
	_ =	strace $0x90000047  }
0xa6: {  	s0 =	sadd.s32 @!p0 $0x100000, s1;
	[bflag:$0x2] =	sbarrier.arrive $0xFFFF  }
0xa7: {  	[sflag:s0] =	ssyncadd.tile.s32 @!p0 $0x1;
	_ =	shalt  }
.Lfunc_end2:
_tile_overlayer_lowered:
.L_overlay_start_2:
0xa8: {  	(tag) =	ssettag $0x2  }
0xa9: {  	s0 =	rddreg [dreg:$0x0];
	s2 =	stileid.u32  }
0xaa: {  	s1 =	rddreg [dreg:$0x1];
	p0 =	sne.s32 s2, $0x0  }
0xab: {  	s3 =	rddreg [dreg:$0x2];
	[bflag:$0x3] =	sbarrier.arrive $0xFFFF;
	s2 =	simm.s32 @!p0 $0x1C02  }
0xac: {  	[timem:s3], [sflag:s2] =	dma.local @!p0 [hbm:s0], s1  }
0xad: {  	s0 =	simm.s32 @!p0 $0x2  }
0xae: {  	_ =	swait.ge @!p0 [sflag:s0], s1  }
0xaf: {  	s1 =	ssub.s32 @!p0 $0x0, s1;
	[sflag:s0] =	ssyncset.done @!p0 $0x0  }
0xb0: {  	[sflag:s0] =	ssyncadd.s32 @!p0 s1  }
0xb1: {  	[bflag:$0x3] =	sbarrier.arrive $0xFFFF  }
0xb2: {  	_ =	shalt  }

</sc_bundles>
